<compile_context>
chip_gen: v7x
topology: tpu7x:2x2x1
jax: 0.10.2.dev20260603
libtpu: 0.0.44.dev20260713+nightly
codegen_flags: <defaults>
</compile_context>

<pallas_src>
import functools

import jax
import jax.numpy as jnp
from jax import lax
from jax.experimental import pallas as pl
from jax.experimental.pallas import tpu as pltpu
from jax.experimental.pallas import tpu_sc as plsc

B, S, D, N = 4, 8192, 1024, 50
NR = N - 1
WPB = 8
NW = B * WPB
RPW = 7
SLOTS = 8
CHUNKS = D // 16


def _sc_gather_dots(table_hbm, sep_hbm, out_hbm, sep_v, idx_v, rows_v,
                    res_v, sem):
    wid = lax.axis_index("s") * 2 + lax.axis_index("c")
    b = wid // WPB
    u = wid % WPB

    pltpu.sync_copy(sep_hbm, sep_v)
    lane = lax.iota(jnp.int32, 16)

    dnums = lax.GatherDimensionNumbers(
        offset_dims=(), collapsed_slice_dims=(0,), start_index_map=(0,))

    def lane_shuffle(x, perm):
        return lax.gather(
            x, perm[:, None], dnums, slice_sizes=(1,),
            mode=lax.GatherScatterMode.PROMISE_IN_BOUNDS,
            unique_indices=True)

    win = sep_v[b, pl.ds(u * RPW, 16)]
    win_d = sep_v[b, pl.ds(NR + 0 * u, 16)]
    dsel = lane_shuffle(win_d, jnp.zeros((16,), jnp.int32))
    limit = jnp.where(u < RPW, RPW, 0)
    vals = jnp.where(lane < limit, win, dsel)
    idx_v[...] = jnp.clip(vals + b * S, 0, B * S - 1)

    pltpu.async_copy(table_hbm.at[idx_v.at[pl.ds(0, SLOTS)]], rows_v,
                     sem).wait()

    zero = jnp.zeros((16,), jnp.float32)

    def acc_chunk(c, nums, rns):
        dchunk = rows_v[SLOTS - 1, pl.ds(c * 16, 16)]
        new_nums = []
        new_rns = []
        for r in range(SLOTS - 1):
            rchunk = rows_v[r, pl.ds(c * 16, 16)]
            new_nums.append(nums[r] + rchunk * dchunk)
            new_rns.append(rns[r] + rchunk * rchunk)
        new_nums.append(nums[SLOTS - 1] + dchunk * dchunk)
        return new_nums, new_rns

    def chunk_body(c, carry):
        nums, rns = carry
        nums, rns = acc_chunk(2 * c, nums, rns)
        nums, rns = acc_chunk(2 * c + 1, nums, rns)
        return tuple(nums), tuple(rns)

    nums0 = tuple(zero for _ in range(SLOTS))
    rns0 = tuple(zero for _ in range(SLOTS - 1))
    nums, rns = lax.fori_loop(0, CHUNKS // 2, chunk_body, (nums0, rns0))

    vecs = list(nums) + list(rns) + [zero]
    s = 1
    while len(vecs) > 1:
        nxt = []
        for i in range(0, len(vecs), 2):
            a, b2 = vecs[i], vecs[i + 1]
            ra = a + lane_shuffle(a, lane ^ s)
            rb = b2 + lane_shuffle(b2, lane ^ s)
            nxt.append(jnp.where((lane & s) == 0, ra, rb))
        vecs = nxt
        s *= 2
    res_v[...] = vecs[0]
    pltpu.sync_copy(res_v.at[pl.ds(0, 8)],
                    out_hbm.at[b, pl.ds(8 * u, 8)])
    pltpu.sync_copy(res_v.at[pl.ds(8, 8)],
                    out_hbm.at[b, pl.ds(64 + 8 * u, 8)])


_sc_call = functools.partial(
    pl.kernel,
    mesh=plsc.VectorSubcoreMesh(core_axis_name="c", subcore_axis_name="s"),
    out_type=jax.ShapeDtypeStruct((B, 128), jnp.float32),
    scratch_types=[
        pltpu.VMEM((B, N), jnp.int32),
        pltpu.VMEM((16,), jnp.int32),
        pltpu.VMEM((SLOTS, D), jnp.float32),
        pltpu.VMEM((16,), jnp.float32),
        pltpu.SemaphoreType.DMA,
    ],
)(_sc_gather_dots)


def _tc_finish(o_ref, lab_ref, sim_ref, loss_ref):
    o = o_ref[...]
    num = o[:, 0:64]
    rn2 = o[:, 64:128]
    dn2 = num[:, RPW:SLOTS]
    col = lax.broadcasted_iota(jnp.int32, (B, 64), 1)
    uu = lax.div(col, WPB)
    kk = lax.rem(col, WPB)
    valid = (uu < RPW) & (kk < RPW)
    raw = num / jnp.maximum(jnp.sqrt(rn2 * dn2), 1e-6)
    sim = jnp.where(valid, raw, 0.0)
    e = jnp.where(valid, jnp.exp(sim), 0.0)
    lse = jnp.log(jnp.sum(e, axis=1, keepdims=True))
    jpos = uu * RPW + kk
    match = valid & (jpos == lab_ref[...])
    picked = jnp.sum(jnp.where(match, sim, 0.0), axis=1,
                     keepdims=True)
    loss_ref[...] = jnp.sum(lse - picked, axis=0, keepdims=True) / B
    p_c = lax.broadcasted_iota(jnp.int32, (64, NR), 0)
    p_j = lax.broadcasted_iota(jnp.int32, (64, NR), 1)
    perm = (p_c == WPB * lax.div(p_j, RPW)
            + lax.rem(p_j, RPW)).astype(jnp.float32)
    sim_ref[...] = jax.lax.dot(sim, perm,
                               precision=jax.lax.Precision.HIGHEST,
                               preferred_element_type=jnp.float32)


def kernel(sequence_output, sep_positions, labels):
    table = sequence_output.reshape(B * S, D)
    out = _sc_call(table, sep_positions.astype(jnp.int32))
    sim_scores, loss = pl.pallas_call(
        _tc_finish,
        out_shape=[
            jax.ShapeDtypeStruct((B, NR), jnp.float32),
            jax.ShapeDtypeStruct((1, 1), jnp.float32),
        ],
    )(out, labels.astype(jnp.int32)[:, None])
    return sim_scores, loss[0, 0]

# --- scband reference (transcript-rebuilt; emitter-appended) ---
"""Pipeline reference for scband-bert-deletion-19980187861327 (READ-ONLY COPY).

The authoritative reference and input builder live on the scoring server;
editing this copy changes nothing except your own understanding.
"""

import jax, jax.numpy as jnp
import numpy as np

B, S, D, N = 4, 8192, 1024, 50

def setup_inputs(seed: int = 0) -> dict:
    key = jax.random.key(seed)
    k1, k2, k3 = jax.random.split(key, 3)
    sequence_output = jax.random.normal(k1, (B, S, D), dtype=jnp.float32)
    sep_positions = jax.random.randint(k2, (B, N), 0, S).astype(jnp.int32)
    labels = jax.random.randint(k3, (B,), 0, N - 1).astype(jnp.int32)
    return {"sequence_output": sequence_output, "sep_positions": sep_positions, "labels": labels}


def reference(sequence_output, sep_positions, labels):
    b, s, d = sequence_output.shape
    n = sep_positions.shape[1]
    # gather SEP-position hidden states: batch x n x d
    utt_seps = jnp.take_along_axis(sequence_output, sep_positions[:, :, None], axis=1)
    remain_utt = utt_seps[:, :-1, :]            # b x (n-1) x d
    delete_utt = utt_seps[:, -1:, :]            # b x 1 x d (broadcasts like expand)
    # torch.nn.CosineSimilarity(dim=2, eps=1e-6)
    eps = 1e-6
    num = jnp.sum(remain_utt * delete_utt, axis=2)
    rn = jnp.sqrt(jnp.sum(remain_utt * remain_utt, axis=2))
    dn = jnp.sqrt(jnp.sum(delete_utt * delete_utt, axis=2))
    sim_scores = num / jnp.maximum(rn * dn, eps)  # b x (n-1)
    # CrossEntropyLoss (mean reduction)
    logits = sim_scores.reshape(b, n - 1)
    lse = jax.nn.logsumexp(logits, axis=1)
    picked = jnp.take_along_axis(logits, labels[:, None], axis=1)[:, 0]
    loss = jnp.mean(lse - picked)
    return (sim_scores, loss)

if __name__ == "__main__":
    import jax
    _d = setup_inputs()
    print(jax.jit(kernel)(*tuple(_d.values())))

</pallas_src>

<mosaic_0001>
#map = affine_map<(d0, d1) -> (0, 0)>
module attributes {stable_mosaic.version = 14 : i64} {
  func.func @_sc_gather_dots(%arg0: i32, %arg1: i32, %arg2: memref<32768x1024xf32, #tpu.memory_space<hbm>>, %arg3: memref<4x50xi32, #tpu.memory_space<hbm>>, %arg4: memref<4x128xf32, #tpu.memory_space<hbm>>, %arg5: memref<4x50xi32, #tpu.memory_space<vmem>>, %arg6: memref<16xi32, #tpu.memory_space<vmem>>, %arg7: memref<8x1024xf32, #tpu.memory_space<vmem>>, %arg8: memref<16xf32, #tpu.memory_space<vmem>>, %arg9: memref<!tpu.dma_semaphore, #tpu.memory_space<semaphore_mem>>) attributes {dimension_semantics = [#tpu.dimension_semantics<core_parallel>, #tpu.dimension_semantics<subcore_parallel>], iteration_bounds = array<i64: 2, 16>, scalar_prefetch = 0 : i64, scratch_operands = 5 : i64, tpu.core_type = #tpu.core_type<sc_vector_subcore>, window_params = [{transform_indices = #map}, {transform_indices = #map}, {transform_indices = #map}]} {
    %mul3A = arith.constant 2 : i32
    %mul3A_0 = arith.muli %arg1, %mul3A : i32
    %add3A = arith.addi %mul3A_0, %arg0 : i32
    %jit3A = arith.constant 8 : i32
    %div3A = arith.divsi %add3A, %jit3A : i32
    %sign3A = arith.constant 0 : i32
    %sign3A_1 = arith.cmpi sgt, %add3A, %sign3A : i32
    %sign3A_2 = arith.extui %sign3A_1 : i1 to i32
    %sign3A_3 = arith.constant 0 : i32
    %sign3A_4 = arith.cmpi slt, %add3A, %sign3A_3 : i32
    %sign3A_5 = arith.extui %sign3A_4 : i1 to i32
    %sign3A_6 = arith.subi %sign3A_2, %sign3A_5 : i32
    %sign3A_7 = arith.constant 0 : i32
    %sign3A_8 = arith.cmpi sgt, %jit3A, %sign3A_7 : i32
    %sign3A_9 = arith.extui %sign3A_8 : i1 to i32
    %sign3A_10 = arith.constant 0 : i32
    %sign3A_11 = arith.cmpi slt, %jit3A, %sign3A_10 : i32
    %sign3A_12 = arith.extui %sign3A_11 : i1 to i32
    %sign3A_13 = arith.subi %sign3A_9, %sign3A_12 : i32
    %ne3A = arith.cmpi ne, %sign3A_6, %sign3A_13 : i32
    %rem3A = arith.remsi %add3A, %jit3A : i32
    %ne3A_14 = arith.constant 0 : i32
    %ne3A_15 = arith.cmpi ne, %rem3A, %ne3A_14 : i32
    %and3A = arith.andi %ne3A, %ne3A_15 : i1
    %sub3A = arith.constant 1 : i32
    %sub3A_16 = arith.subi %div3A, %sub3A : i32
    %select_n3A = arith.select %and3A, %sub3A_16, %div3A : i32
    %jit3A_17 = arith.constant 8 : i32
    %eq3A = arith.constant 0 : i32
    %eq3A_18 = arith.cmpi eq, %jit3A_17, %eq3A : i32
    %jit3A_19 = arith.constant 1 : i32
    %select_n3A_20 = arith.select %eq3A_18, %jit3A_19, %jit3A_17 : i32
    %rem3A_21 = arith.remsi %add3A, %select_n3A_20 : i32
    %ne3A_22 = arith.constant 0 : i32
    %ne3A_23 = arith.cmpi ne, %rem3A_21, %ne3A_22 : i32
    %lt3A = arith.constant 0 : i32
    %lt3A_24 = arith.cmpi slt, %rem3A_21, %lt3A : i32
    %lt3A_25 = arith.constant 0 : i32
    %lt3A_26 = arith.cmpi slt, %select_n3A_20, %lt3A_25 : i32
    %ne3A_27 = arith.xori %lt3A_24, %lt3A_26 : i1
    %and3A_28 = arith.andi %ne3A_27, %ne3A_23 : i1
    %add3A_29 = arith.addi %rem3A_21, %select_n3A_20 : i32
    %select_n3A_30 = arith.select %and3A_28, %add3A_29, %rem3A_21 : i32
    "tpu.region"() ({
      %run_scoped3A = tpu.sem_alloc : memref<!tpu.dma_semaphore, #tpu.memory_space<semaphore_mem>>
      tpu.enqueue_dma source(%arg3 : memref<4x50xi32, #tpu.memory_space<hbm>>) target(%arg5 : memref<4x50xi32, #tpu.memory_space<vmem>>) target_semaphore(%run_scoped3A : memref<!tpu.dma_semaphore, #tpu.memory_space<semaphore_mem>>)
      tpu.wait_dma2 semaphore(%run_scoped3A : memref<!tpu.dma_semaphore, #tpu.memory_space<semaphore_mem>>) src(%arg3 : memref<4x50xi32, #tpu.memory_space<hbm>>) dst(%arg5 : memref<4x50xi32, #tpu.memory_space<vmem>>)
      tpu.yield
    }) : () -> ()
    %iota3A = tpu.iota {dimensions = array<i32: 0>} : vector<16xi32>
    %mul3A_31 = arith.constant 7 : i32
    %mul3A_32 = arith.muli %select_n3A_30, %mul3A_31 : i32
    %get3A = arith.index_cast %select_n3A : i32 to index
    %get3A_33 = arith.index_cast %mul3A_32 : i32 to index
    %get3A_34 = tpu.vector_load %arg5[%get3A, %get3A_33] {strides = array<i32>} : memref<4x50xi32, #tpu.memory_space<vmem>>, vector<1x16xi32>,
    %get3A_35 = vector.shape_cast %get3A_34 : vector<1x16xi32> to vector<16xi32>
    %mul3A_36 = arith.constant 0 : i32
    %mul3A_37 = arith.muli %mul3A_36, %select_n3A_30 : i32
    %add3A_38 = arith.constant 49 : i32
    %add3A_39 = arith.addi %add3A_38, %mul3A_37 : i32
    %get3A_40 = arith.index_cast %select_n3A : i32 to index
    %get3A_41 = arith.index_cast %add3A_39 : i32 to index
    %get3A_42 = tpu.vector_load %arg5[%get3A_40, %get3A_41] {strides = array<i32>} : memref<4x50xi32, #tpu.memory_space<vmem>>, vector<1x16xi32>,
    %get3A_43 = vector.shape_cast %get3A_42 : vector<1x16xi32> to vector<16xi32>
    %broadcast_in_dim3A = arith.constant 0 : i32
    %broadcast_in_dim3A_44 = vector.broadcast %broadcast_in_dim3A : i32 to vector<16xi32>
    %broadcast_in_dim3A_45 = vector.shape_cast %broadcast_in_dim3A_44 : vector<16xi32> to vector<16x1xi32>
    %gather3A = vector.shape_cast %broadcast_in_dim3A_45 : vector<16x1xi32> to vector<16xi32>
    %gather3A_46 = tpu.dynamic_gather %get3A_43[%gather3A] in [0] : vector<16xi32>, vector<16xi32> -> vector<16xi32>
    %lt3A_47 = arith.constant 7 : i32
    %lt3A_48 = arith.cmpi slt, %select_n3A_30, %lt3A_47 : i32
    %jit3A_49 = arith.constant 7 : i32
    %jit3A_50 = arith.constant 0 : i32
    %select_n3A_51 = arith.select %lt3A_48, %jit3A_49, %jit3A_50 : i32
    %lt3A_52 = vector.broadcast %select_n3A_51 : i32 to vector<16xi32>
    %lt3A_53 = arith.cmpi slt, %iota3A, %lt3A_52 : vector<16xi32>
    %select_n3A_54 = arith.select %lt3A_53, %get3A_35, %gather3A_46 : vector<16xi1>, vector<16xi32>
    %mul3A_55 = arith.constant 8192 : i32
    %mul3A_56 = arith.muli %select_n3A, %mul3A_55 : i32
    %add3A_57 = vector.broadcast %mul3A_56 : i32 to vector<16xi32>
    %add3A_58 = arith.addi %select_n3A_54, %add3A_57 : vector<16xi32>
    %jit3A_59 = arith.constant 0 : i32
    %jit3A_60 = arith.constant 32767 : i32
    %max3A = vector.broadcast %jit3A_59 : i32 to vector<16xi32>
    %max3A_61 = arith.maxsi %max3A, %add3A_58 : vector<16xi32>
    %min3A = vector.broadcast %jit3A_60 : i32 to vector<16xi32>
    %min3A_62 = arith.minsi %min3A, %max3A_61 : vector<16xi32>
    %swap3A = arith.constant 0 : index
    %swap3A_63 = tpu.vector_load %arg6[%swap3A] {strides = array<i32>} : memref<16xi32, #tpu.memory_space<vmem>>, vector<16xi32>,
    %swap3A_64 = vector.shape_cast %swap3A_63 : vector<16xi32> to vector<16xi32>
    %swap3A_65 = vector.shape_cast %min3A_62 : vector<16xi32> to vector<16xi32>
    tpu.vector_store %arg6[%swap3A], %swap3A_65 {strides = array<i32>} : memref<16xi32, #tpu.memory_space<vmem>>, vector<16xi32>,
    %dma_start3A = arith.constant 0 : i32
    %dma_start3A_66 = tpu.memref_slice %arg6[%dma_start3A] : memref<16xi32, #tpu.memory_space<vmem>> -> memref<8xi32, #tpu.memory_space<vmem>>
    %dma_start3A_67 = arith.constant 0 : i32
    %dma_start3A_68 = arith.constant 0 : i32
    %dma_start3A_69 = tpu.memref_slice %arg2[%dma_start3A_67, %dma_start3A_68] : memref<32768x1024xf32, #tpu.memory_space<hbm>> -> memref<32768x1024xf32, #tpu.memory_space<hbm>>
    tpu.enqueue_indirect_dma source(%dma_start3A_69 : memref<32768x1024xf32, #tpu.memory_space<hbm>>) target(%arg7 : memref<8x1024xf32, #tpu.memory_space<vmem>>) offsets(%dma_start3A_66 : memref<8xi32, #tpu.memory_space<vmem>>) semaphore(%arg9 : memref<!tpu.dma_semaphore, #tpu.memory_space<semaphore_mem>>)
    %dma_wait3A = arith.constant 0 : i32
    %dma_wait3A_70 = tpu.memref_slice %arg6[%dma_wait3A] : memref<16xi32, #tpu.memory_space<vmem>> -> memref<8xi32, #tpu.memory_space<vmem>>
    %dma_wait3A_71 = arith.constant 0 : i32
    %dma_wait3A_72 = arith.constant 0 : i32
    %dma_wait3A_73 = tpu.memref_slice %arg2[%dma_wait3A_71, %dma_wait3A_72] : memref<32768x1024xf32, #tpu.memory_space<hbm>> -> memref<32768x1024xf32, #tpu.memory_space<hbm>>
    tpu.wait_indirect_dma semaphore(%arg9 : memref<!tpu.dma_semaphore, #tpu.memory_space<semaphore_mem>>) src(%dma_wait3A_73 : memref<32768x1024xf32, #tpu.memory_space<hbm>>) dst(%arg7 : memref<8x1024xf32, #tpu.memory_space<vmem>>)
    %broadcast_in_dim3A_74 = arith.constant 0.000000e+00 : f32
    %broadcast_in_dim3A_75 = vector.broadcast %broadcast_in_dim3A_74 : f32 to vector<16xf32>
    %scan3A = arith.constant 0 : i32
    %scan3A_76 = arith.constant 32 : i32
    %scan3A_77 = arith.addi %scan3A, %scan3A_76 : i32
    %scan3A_78 = arith.constant 1 : i32
    %scan3A_79:15 = scf.for %scan3A_405 = %scan3A to %scan3A_77 step %scan3A_78 iter_args(%scan3A_406 = %broadcast_in_dim3A_75, %scan3A_407 = %broadcast_in_dim3A_75, %scan3A_408 = %broadcast_in_dim3A_75, %scan3A_409 = %broadcast_in_dim3A_75, %scan3A_410 = %broadcast_in_dim3A_75, %scan3A_411 = %broadcast_in_dim3A_75, %scan3A_412 = %broadcast_in_dim3A_75, %scan3A_413 = %broadcast_in_dim3A_75, %scan3A_414 = %broadcast_in_dim3A_75, %scan3A_415 = %broadcast_in_dim3A_75, %scan3A_416 = %broadcast_in_dim3A_75, %scan3A_417 = %broadcast_in_dim3A_75, %scan3A_418 = %broadcast_in_dim3A_75, %scan3A_419 = %broadcast_in_dim3A_75, %scan3A_420 = %broadcast_in_dim3A_75) -> (vector<16xf32>, vector<16xf32>, vector<16xf32>, vector<16xf32>, vector<16xf32>, vector<16xf32>, vector<16xf32>, vector<16xf32>, vector<16xf32>, vector<16xf32>, vector<16xf32>, vector<16xf32>, vector<16xf32>, vector<16xf32>, vector<16xf32>)  : i32 {
      %mul3A_421 = arith.constant 2 : i32
      %mul3A_422 = arith.muli %mul3A_421, %scan3A_405 : i32
      %mul3A_423 = arith.constant 16 : i32
      %mul3A_424 = arith.muli %mul3A_422, %mul3A_423 : i32
      %get3A_425 = arith.constant 7 : i32
      %get3A_426 = arith.index_cast %get3A_425 : i32 to index
      %get3A_427 = arith.index_cast %mul3A_424 : i32 to index
      %get3A_428 = tpu.vector_load %arg7[%get3A_426, %get3A_427] {strides = array<i32>} : memref<8x1024xf32, #tpu.memory_space<vmem>>, vector<1x16xf32>,
      %get3A_429 = vector.shape_cast %get3A_428 : vector<1x16xf32> to vector<16xf32>
      %mul3A_430 = arith.constant 16 : i32
      %mul3A_431 = arith.muli %mul3A_422, %mul3A_430 : i32
      %get3A_432 = arith.constant 0 : i32
      %get3A_433 = arith.index_cast %get3A_432 : i32 to index
      %get3A_434 = arith.index_cast %mul3A_431 : i32 to index
      %get3A_435 = tpu.vector_load %arg7[%get3A_433, %get3A_434] {strides = array<i32>} : memref<8x1024xf32, #tpu.memory_space<vmem>>, vector<1x16xf32>,
      %get3A_436 = vector.shape_cast %get3A_435 : vector<1x16xf32> to vector<16xf32>
      %mul3A_437 = arith.mulf %get3A_436, %get3A_429 : vector<16xf32>
      %add3A_438 = arith.addf %scan3A_406, %mul3A_437 : vector<16xf32>
      %mul3A_439 = arith.mulf %get3A_436, %get3A_436 : vector<16xf32>
      %add3A_440 = arith.addf %scan3A_414, %mul3A_439 : vector<16xf32>
      %mul3A_441 = arith.constant 16 : i32
      %mul3A_442 = arith.muli %mul3A_422, %mul3A_441 : i32
      %get3A_443 = arith.constant 1 : i32
      %get3A_444 = arith.index_cast %get3A_443 : i32 to index
      %get3A_445 = arith.index_cast %mul3A_442 : i32 to index
      %get3A_446 = tpu.vector_load %arg7[%get3A_444, %get3A_445] {strides = array<i32>} : memref<8x1024xf32, #tpu.memory_space<vmem>>, vector<1x16xf32>,
      %get3A_447 = vector.shape_cast %get3A_446 : vector<1x16xf32> to vector<16xf32>
      %mul3A_448 = arith.mulf %get3A_447, %get3A_429 : vector<16xf32>
      %add3A_449 = arith.addf %scan3A_407, %mul3A_448 : vector<16xf32>
      %mul3A_450 = arith.mulf %get3A_447, %get3A_447 : vector<16xf32>
      %add3A_451 = arith.addf %scan3A_415, %mul3A_450 : vector<16xf32>
      %mul3A_452 = arith.constant 16 : i32
      %mul3A_453 = arith.muli %mul3A_422, %mul3A_452 : i32
      %get3A_454 = arith.constant 2 : i32
      %get3A_455 = arith.index_cast %get3A_454 : i32 to index
      %get3A_456 = arith.index_cast %mul3A_453 : i32 to index
      %get3A_457 = tpu.vector_load %arg7[%get3A_455, %get3A_456] {strides = array<i32>} : memref<8x1024xf32, #tpu.memory_space<vmem>>, vector<1x16xf32>,
      %get3A_458 = vector.shape_cast %get3A_457 : vector<1x16xf32> to vector<16xf32>
      %mul3A_459 = arith.mulf %get3A_458, %get3A_429 : vector<16xf32>
      %add3A_460 = arith.addf %scan3A_408, %mul3A_459 : vector<16xf32>
      %mul3A_461 = arith.mulf %get3A_458, %get3A_458 : vector<16xf32>
      %add3A_462 = arith.addf %scan3A_416, %mul3A_461 : vector<16xf32>
      %mul3A_463 = arith.constant 16 : i32
      %mul3A_464 = arith.muli %mul3A_422, %mul3A_463 : i32
      %get3A_465 = arith.constant 3 : i32
      %get3A_466 = arith.index_cast %get3A_465 : i32 to index
      %get3A_467 = arith.index_cast %mul3A_464 : i32 to index
      %get3A_468 = tpu.vector_load %arg7[%get3A_466, %get3A_467] {strides = array<i32>} : memref<8x1024xf32, #tpu.memory_space<vmem>>, vector<1x16xf32>,
      %get3A_469 = vector.shape_cast %get3A_468 : vector<1x16xf32> to vector<16xf32>
      %mul3A_470 = arith.mulf %get3A_469, %get3A_429 : vector<16xf32>
      %add3A_471 = arith.addf %scan3A_409, %mul3A_470 : vector<16xf32>
      %mul3A_472 = arith.mulf %get3A_469, %get3A_469 : vector<16xf32>
      %add3A_473 = arith.addf %scan3A_417, %mul3A_472 : vector<16xf32>
      %mul3A_474 = arith.constant 16 : i32
      %mul3A_475 = arith.muli %mul3A_422, %mul3A_474 : i32
      %get3A_476 = arith.constant 4 : i32
      %get3A_477 = arith.index_cast %get3A_476 : i32 to index
      %get3A_478 = arith.index_cast %mul3A_475 : i32 to index
      %get3A_479 = tpu.vector_load %arg7[%get3A_477, %get3A_478] {strides = array<i32>} : memref<8x1024xf32, #tpu.memory_space<vmem>>, vector<1x16xf32>,
      %get3A_480 = vector.shape_cast %get3A_479 : vector<1x16xf32> to vector<16xf32>
      %mul3A_481 = arith.mulf %get3A_480, %get3A_429 : vector<16xf32>
      %add3A_482 = arith.addf %scan3A_410, %mul3A_481 : vector<16xf32>
      %mul3A_483 = arith.mulf %get3A_480, %get3A_480 : vector<16xf32>
      %add3A_484 = arith.addf %scan3A_418, %mul3A_483 : vector<16xf32>
      %mul3A_485 = arith.constant 16 : i32
      %mul3A_486 = arith.muli %mul3A_422, %mul3A_485 : i32
      %get3A_487 = arith.constant 5 : i32
      %get3A_488 = arith.index_cast %get3A_487 : i32 to index
      %get3A_489 = arith.index_cast %mul3A_486 : i32 to index
      %get3A_490 = tpu.vector_load %arg7[%get3A_488, %get3A_489] {strides = array<i32>} : memref<8x1024xf32, #tpu.memory_space<vmem>>, vector<1x16xf32>,
      %get3A_491 = vector.shape_cast %get3A_490 : vector<1x16xf32> to vector<16xf32>
      %mul3A_492 = arith.mulf %get3A_491, %get3A_429 : vector<16xf32>
      %add3A_493 = arith.addf %scan3A_411, %mul3A_492 : vector<16xf32>
      %mul3A_494 = arith.mulf %get3A_491, %get3A_491 : vector<16xf32>
      %add3A_495 = arith.addf %scan3A_419, %mul3A_494 : vector<16xf32>
      %mul3A_496 = arith.constant 16 : i32
      %mul3A_497 = arith.muli %mul3A_422, %mul3A_496 : i32
      %get3A_498 = arith.constant 6 : i32
      %get3A_499 = arith.index_cast %get3A_498 : i32 to index
      %get3A_500 = arith.index_cast %mul3A_497 : i32 to index
      %get3A_501 = tpu.vector_load %arg7[%get3A_499, %get3A_500] {strides = array<i32>} : memref<8x1024xf32, #tpu.memory_space<vmem>>, vector<1x16xf32>,
      %get3A_502 = vector.shape_cast %get3A_501 : vector<1x16xf32> to vector<16xf32>
      %mul3A_503 = arith.mulf %get3A_502, %get3A_429 : vector<16xf32>
      %add3A_504 = arith.addf %scan3A_412, %mul3A_503 : vector<16xf32>
      %mul3A_505 = arith.mulf %get3A_502, %get3A_502 : vector<16xf32>
      %add3A_506 = arith.addf %scan3A_420, %mul3A_505 : vector<16xf32>
      %mul3A_507 = arith.mulf %get3A_429, %get3A_429 : vector<16xf32>
      %add3A_508 = arith.addf %scan3A_413, %mul3A_507 : vector<16xf32>
      %mul3A_509 = arith.constant 2 : i32
      %mul3A_510 = arith.muli %mul3A_509, %scan3A_405 : i32
      %add3A_511 = arith.constant 1 : i32
      %add3A_512 = arith.addi %mul3A_510, %add3A_511 : i32
      %mul3A_513 = arith.constant 16 : i32
      %mul3A_514 = arith.muli %add3A_512, %mul3A_513 : i32
      %get3A_515 = arith.constant 7 : i32
      %get3A_516 = arith.index_cast %get3A_515 : i32 to index
      %get3A_517 = arith.index_cast %mul3A_514 : i32 to index
      %get3A_518 = tpu.vector_load %arg7[%get3A_516, %get3A_517] {strides = array<i32>} : memref<8x1024xf32, #tpu.memory_space<vmem>>, vector<1x16xf32>,
      %get3A_519 = vector.shape_cast %get3A_518 : vector<1x16xf32> to vector<16xf32>
      %mul3A_520 = arith.constant 16 : i32
      %mul3A_521 = arith.muli %add3A_512, %mul3A_520 : i32
      %get3A_522 = arith.constant 0 : i32
      %get3A_523 = arith.index_cast %get3A_522 : i32 to index
      %get3A_524 = arith.index_cast %mul3A_521 : i32 to index
      %get3A_525 = tpu.vector_load %arg7[%get3A_523, %get3A_524] {strides = array<i32>} : memref<8x1024xf32, #tpu.memory_space<vmem>>, vector<1x16xf32>,
      %get3A_526 = vector.shape_cast %get3A_525 : vector<1x16xf32> to vector<16xf32>
      %mul3A_527 = arith.mulf %get3A_526, %get3A_519 : vector<16xf32>
      %add3A_528 = arith.addf %add3A_438, %mul3A_527 : vector<16xf32>
      %mul3A_529 = arith.mulf %get3A_526, %get3A_526 : vector<16xf32>
      %add3A_530 = arith.addf %add3A_440, %mul3A_529 : vector<16xf32>
      %mul3A_531 = arith.constant 16 : i32
      %mul3A_532 = arith.muli %add3A_512, %mul3A_531 : i32
      %get3A_533 = arith.constant 1 : i32
      %get3A_534 = arith.index_cast %get3A_533 : i32 to index
      %get3A_535 = arith.index_cast %mul3A_532 : i32 to index
      %get3A_536 = tpu.vector_load %arg7[%get3A_534, %get3A_535] {strides = array<i32>} : memref<8x1024xf32, #tpu.memory_space<vmem>>, vector<1x16xf32>,
      %get3A_537 = vector.shape_cast %get3A_536 : vector<1x16xf32> to vector<16xf32>
      %mul3A_538 = arith.mulf %get3A_537, %get3A_519 : vector<16xf32>
      %add3A_539 = arith.addf %add3A_449, %mul3A_538 : vector<16xf32>
      %mul3A_540 = arith.mulf %get3A_537, %get3A_537 : vector<16xf32>
      %add3A_541 = arith.addf %add3A_451, %mul3A_540 : vector<16xf32>
      %mul3A_542 = arith.constant 16 : i32
      %mul3A_543 = arith.muli %add3A_512, %mul3A_542 : i32
      %get3A_544 = arith.constant 2 : i32
      %get3A_545 = arith.index_cast %get3A_544 : i32 to index
      %get3A_546 = arith.index_cast %mul3A_543 : i32 to index
      %get3A_547 = tpu.vector_load %arg7[%get3A_545, %get3A_546] {strides = array<i32>} : memref<8x1024xf32, #tpu.memory_space<vmem>>, vector<1x16xf32>,
      %get3A_548 = vector.shape_cast %get3A_547 : vector<1x16xf32> to vector<16xf32>
      %mul3A_549 = arith.mulf %get3A_548, %get3A_519 : vector<16xf32>
      %add3A_550 = arith.addf %add3A_460, %mul3A_549 : vector<16xf32>
      %mul3A_551 = arith.mulf %get3A_548, %get3A_548 : vector<16xf32>
      %add3A_552 = arith.addf %add3A_462, %mul3A_551 : vector<16xf32>
      %mul3A_553 = arith.constant 16 : i32
      %mul3A_554 = arith.muli %add3A_512, %mul3A_553 : i32
      %get3A_555 = arith.constant 3 : i32
      %get3A_556 = arith.index_cast %get3A_555 : i32 to index
      %get3A_557 = arith.index_cast %mul3A_554 : i32 to index
      %get3A_558 = tpu.vector_load %arg7[%get3A_556, %get3A_557] {strides = array<i32>} : memref<8x1024xf32, #tpu.memory_space<vmem>>, vector<1x16xf32>,
      %get3A_559 = vector.shape_cast %get3A_558 : vector<1x16xf32> to vector<16xf32>
      %mul3A_560 = arith.mulf %get3A_559, %get3A_519 : vector<16xf32>
      %add3A_561 = arith.addf %add3A_471, %mul3A_560 : vector<16xf32>
      %mul3A_562 = arith.mulf %get3A_559, %get3A_559 : vector<16xf32>
      %add3A_563 = arith.addf %add3A_473, %mul3A_562 : vector<16xf32>
      %mul3A_564 = arith.constant 16 : i32
      %mul3A_565 = arith.muli %add3A_512, %mul3A_564 : i32
      %get3A_566 = arith.constant 4 : i32
      %get3A_567 = arith.index_cast %get3A_566 : i32 to index
      %get3A_568 = arith.index_cast %mul3A_565 : i32 to index
      %get3A_569 = tpu.vector_load %arg7[%get3A_567, %get3A_568] {strides = array<i32>} : memref<8x1024xf32, #tpu.memory_space<vmem>>, vector<1x16xf32>,
      %get3A_570 = vector.shape_cast %get3A_569 : vector<1x16xf32> to vector<16xf32>
      %mul3A_571 = arith.mulf %get3A_570, %get3A_519 : vector<16xf32>
      %add3A_572 = arith.addf %add3A_482, %mul3A_571 : vector<16xf32>
      %mul3A_573 = arith.mulf %get3A_570, %get3A_570 : vector<16xf32>
      %add3A_574 = arith.addf %add3A_484, %mul3A_573 : vector<16xf32>
      %mul3A_575 = arith.constant 16 : i32
      %mul3A_576 = arith.muli %add3A_512, %mul3A_575 : i32
      %get3A_577 = arith.constant 5 : i32
      %get3A_578 = arith.index_cast %get3A_577 : i32 to index
      %get3A_579 = arith.index_cast %mul3A_576 : i32 to index
      %get3A_580 = tpu.vector_load %arg7[%get3A_578, %get3A_579] {strides = array<i32>} : memref<8x1024xf32, #tpu.memory_space<vmem>>, vector<1x16xf32>,
      %get3A_581 = vector.shape_cast %get3A_580 : vector<1x16xf32> to vector<16xf32>
      %mul3A_582 = arith.mulf %get3A_581, %get3A_519 : vector<16xf32>
      %add3A_583 = arith.addf %add3A_493, %mul3A_582 : vector<16xf32>
      %mul3A_584 = arith.mulf %get3A_581, %get3A_581 : vector<16xf32>
      %add3A_585 = arith.addf %add3A_495, %mul3A_584 : vector<16xf32>
      %mul3A_586 = arith.constant 16 : i32
      %mul3A_587 = arith.muli %add3A_512, %mul3A_586 : i32
      %get3A_588 = arith.constant 6 : i32
      %get3A_589 = arith.index_cast %get3A_588 : i32 to index
      %get3A_590 = arith.index_cast %mul3A_587 : i32 to index
      %get3A_591 = tpu.vector_load %arg7[%get3A_589, %get3A_590] {strides = array<i32>} : memref<8x1024xf32, #tpu.memory_space<vmem>>, vector<1x16xf32>,
      %get3A_592 = vector.shape_cast %get3A_591 : vector<1x16xf32> to vector<16xf32>
      %mul3A_593 = arith.mulf %get3A_592, %get3A_519 : vector<16xf32>
      %add3A_594 = arith.addf %add3A_504, %mul3A_593 : vector<16xf32>
      %mul3A_595 = arith.mulf %get3A_592, %get3A_592 : vector<16xf32>
      %add3A_596 = arith.addf %add3A_506, %mul3A_595 : vector<16xf32>
      %mul3A_597 = arith.mulf %get3A_519, %get3A_519 : vector<16xf32>
      %add3A_598 = arith.addf %add3A_508, %mul3A_597 : vector<16xf32>
      scf.yield %add3A_528, %add3A_539, %add3A_550, %add3A_561, %add3A_572, %add3A_583, %add3A_594, %add3A_598, %add3A_530, %add3A_541, %add3A_552, %add3A_563, %add3A_574, %add3A_585, %add3A_596 : vector<16xf32>, vector<16xf32>, vector<16xf32>, vector<16xf32>, vector<16xf32>, vector<16xf32>, vector<16xf32>, vector<16xf32>, vector<16xf32>, vector<16xf32>, vector<16xf32>, vector<16xf32>, vector<16xf32>, vector<16xf32>, vector<16xf32>
    }
    %scan3A_80 = arith.constant 32 : i32
    %xor3A = arith.constant 1 : i32
    %xor3A_81 = vector.broadcast %xor3A : i32 to vector<16xi32>
    %xor3A_82 = arith.xori %iota3A, %xor3A_81 : vector<16xi32>
    %broadcast_in_dim3A_83 = vector.shape_cast %xor3A_82 : vector<16xi32> to vector<16x1xi32>
    %gather3A_84 = vector.shape_cast %broadcast_in_dim3A_83 : vector<16x1xi32> to vector<16xi32>
    %gather3A_85 = tpu.dynamic_gather %scan3A_79#0[%gather3A_84] in [0] : vector<16xf32>, vector<16xi32> -> vector<16xf32>
    %add3A_86 = arith.addf %scan3A_79#0, %gather3A_85 : vector<16xf32>
    %xor3A_87 = arith.constant 1 : i32
    %xor3A_88 = vector.broadcast %xor3A_87 : i32 to vector<16xi32>
    %xor3A_89 = arith.xori %iota3A, %xor3A_88 : vector<16xi32>
    %broadcast_in_dim3A_90 = vector.shape_cast %xor3A_89 : vector<16xi32> to vector<16x1xi32>
    %gather3A_91 = vector.shape_cast %broadcast_in_dim3A_90 : vector<16x1xi32> to vector<16xi32>
    %gather3A_92 = tpu.dynamic_gather %scan3A_79#1[%gather3A_91] in [0] : vector<16xf32>, vector<16xi32> -> vector<16xf32>
    %add3A_93 = arith.addf %scan3A_79#1, %gather3A_92 : vector<16xf32>
    %and3A_94 = arith.constant 1 : i32
    %and3A_95 = vector.broadcast %and3A_94 : i32 to vector<16xi32>
    %and3A_96 = arith.andi %iota3A, %and3A_95 : vector<16xi32>
    %eq3A_97 = arith.constant 0 : i32
    %eq3A_98 = vector.broadcast %eq3A_97 : i32 to vector<16xi32>
    %eq3A_99 = arith.cmpi eq, %and3A_96, %eq3A_98 : vector<16xi32>
    %select_n3A_100 = arith.select %eq3A_99, %add3A_86, %add3A_93 : vector<16xi1>, vector<16xf32>
    %xor3A_101 = arith.constant 1 : i32
    %xor3A_102 = vector.broadcast %xor3A_101 : i32 to vector<16xi32>
    %xor3A_103 = arith.xori %iota3A, %xor3A_102 : vector<16xi32>
    %broadcast_in_dim3A_104 = vector.shape_cast %xor3A_103 : vector<16xi32> to vector<16x1xi32>
    %gather3A_105 = vector.shape_cast %broadcast_in_dim3A_104 : vector<16x1xi32> to vector<16xi32>
    %gather3A_106 = tpu.dynamic_gather %scan3A_79#2[%gather3A_105] in [0] : vector<16xf32>, vector<16xi32> -> vector<16xf32>
    %add3A_107 = arith.addf %scan3A_79#2, %gather3A_106 : vector<16xf32>
    %xor3A_108 = arith.constant 1 : i32
    %xor3A_109 = vector.broadcast %xor3A_108 : i32 to vector<16xi32>
    %xor3A_110 = arith.xori %iota3A, %xor3A_109 : vector<16xi32>
    %broadcast_in_dim3A_111 = vector.shape_cast %xor3A_110 : vector<16xi32> to vector<16x1xi32>
    %gather3A_112 = vector.shape_cast %broadcast_in_dim3A_111 : vector<16x1xi32> to vector<16xi32>
    %gather3A_113 = tpu.dynamic_gather %scan3A_79#3[%gather3A_112] in [0] : vector<16xf32>, vector<16xi32> -> vector<16xf32>
    %add3A_114 = arith.addf %scan3A_79#3, %gather3A_113 : vector<16xf32>
    %and3A_115 = arith.constant 1 : i32
    %and3A_116 = vector.broadcast %and3A_115 : i32 to vector<16xi32>
    %and3A_117 = arith.andi %iota3A, %and3A_116 : vector<16xi32>
    %eq3A_118 = arith.constant 0 : i32
    %eq3A_119 = vector.broadcast %eq3A_118 : i32 to vector<16xi32>
    %eq3A_120 = arith.cmpi eq, %and3A_117, %eq3A_119 : vector<16xi32>
    %select_n3A_121 = arith.select %eq3A_120, %add3A_107, %add3A_114 : vector<16xi1>, vector<16xf32>
    %xor3A_122 = arith.constant 1 : i32
    %xor3A_123 = vector.broadcast %xor3A_122 : i32 to vector<16xi32>
    %xor3A_124 = arith.xori %iota3A, %xor3A_123 : vector<16xi32>
    %broadcast_in_dim3A_125 = vector.shape_cast %xor3A_124 : vector<16xi32> to vector<16x1xi32>
    %gather3A_126 = vector.shape_cast %broadcast_in_dim3A_125 : vector<16x1xi32> to vector<16xi32>
    %gather3A_127 = tpu.dynamic_gather %scan3A_79#4[%gather3A_126] in [0] : vector<16xf32>, vector<16xi32> -> vector<16xf32>
    %add3A_128 = arith.addf %scan3A_79#4, %gather3A_127 : vector<16xf32>
    %xor3A_129 = arith.constant 1 : i32
    %xor3A_130 = vector.broadcast %xor3A_129 : i32 to vector<16xi32>
    %xor3A_131 = arith.xori %iota3A, %xor3A_130 : vector<16xi32>
    %broadcast_in_dim3A_132 = vector.shape_cast %xor3A_131 : vector<16xi32> to vector<16x1xi32>
    %gather3A_133 = vector.shape_cast %broadcast_in_dim3A_132 : vector<16x1xi32> to vector<16xi32>
    %gather3A_134 = tpu.dynamic_gather %scan3A_79#5[%gather3A_133] in [0] : vector<16xf32>, vector<16xi32> -> vector<16xf32>
    %add3A_135 = arith.addf %scan3A_79#5, %gather3A_134 : vector<16xf32>
    %and3A_136 = arith.constant 1 : i32
    %and3A_137 = vector.broadcast %and3A_136 : i32 to vector<16xi32>
    %and3A_138 = arith.andi %iota3A, %and3A_137 : vector<16xi32>
    %eq3A_139 = arith.constant 0 : i32
    %eq3A_140 = vector.broadcast %eq3A_139 : i32 to vector<16xi32>
    %eq3A_141 = arith.cmpi eq, %and3A_138, %eq3A_140 : vector<16xi32>
    %select_n3A_142 = arith.select %eq3A_141, %add3A_128, %add3A_135 : vector<16xi1>, vector<16xf32>
    %xor3A_143 = arith.constant 1 : i32
    %xor3A_144 = vector.broadcast %xor3A_143 : i32 to vector<16xi32>
    %xor3A_145 = arith.xori %iota3A, %xor3A_144 : vector<16xi32>
    %broadcast_in_dim3A_146 = vector.shape_cast %xor3A_145 : vector<16xi32> to vector<16x1xi32>
    %gather3A_147 = vector.shape_cast %broadcast_in_dim3A_146 : vector<16x1xi32> to vector<16xi32>
    %gather3A_148 = tpu.dynamic_gather %scan3A_79#6[%gather3A_147] in [0] : vector<16xf32>, vector<16xi32> -> vector<16xf32>
    %add3A_149 = arith.addf %scan3A_79#6, %gather3A_148 : vector<16xf32>
    %xor3A_150 = arith.constant 1 : i32
    %xor3A_151 = vector.broadcast %xor3A_150 : i32 to vector<16xi32>
    %xor3A_152 = arith.xori %iota3A, %xor3A_151 : vector<16xi32>
    %broadcast_in_dim3A_153 = vector.shape_cast %xor3A_152 : vector<16xi32> to vector<16x1xi32>
    %gather3A_154 = vector.shape_cast %broadcast_in_dim3A_153 : vector<16x1xi32> to vector<16xi32>
    %gather3A_155 = tpu.dynamic_gather %scan3A_79#7[%gather3A_154] in [0] : vector<16xf32>, vector<16xi32> -> vector<16xf32>
    %add3A_156 = arith.addf %scan3A_79#7, %gather3A_155 : vector<16xf32>
    %and3A_157 = arith.constant 1 : i32
    %and3A_158 = vector.broadcast %and3A_157 : i32 to vector<16xi32>
    %and3A_159 = arith.andi %iota3A, %and3A_158 : vector<16xi32>
    %eq3A_160 = arith.constant 0 : i32
    %eq3A_161 = vector.broadcast %eq3A_160 : i32 to vector<16xi32>
    %eq3A_162 = arith.cmpi eq, %and3A_159, %eq3A_161 : vector<16xi32>
    %select_n3A_163 = arith.select %eq3A_162, %add3A_149, %add3A_156 : vector<16xi1>, vector<16xf32>
    %xor3A_164 = arith.constant 1 : i32
    %xor3A_165 = vector.broadcast %xor3A_164 : i32 to vector<16xi32>
    %xor3A_166 = arith.xori %iota3A, %xor3A_165 : vector<16xi32>
    %broadcast_in_dim3A_167 = vector.shape_cast %xor3A_166 : vector<16xi32> to vector<16x1xi32>
    %gather3A_168 = vector.shape_cast %broadcast_in_dim3A_167 : vector<16x1xi32> to vector<16xi32>
    %gather3A_169 = tpu.dynamic_gather %scan3A_79#8[%gather3A_168] in [0] : vector<16xf32>, vector<16xi32> -> vector<16xf32>
    %add3A_170 = arith.addf %scan3A_79#8, %gather3A_169 : vector<16xf32>
    %xor3A_171 = arith.constant 1 : i32
    %xor3A_172 = vector.broadcast %xor3A_171 : i32 to vector<16xi32>
    %xor3A_173 = arith.xori %iota3A, %xor3A_172 : vector<16xi32>
    %broadcast_in_dim3A_174 = vector.shape_cast %xor3A_173 : vector<16xi32> to vector<16x1xi32>
    %gather3A_175 = vector.shape_cast %broadcast_in_dim3A_174 : vector<16x1xi32> to vector<16xi32>
    %gather3A_176 = tpu.dynamic_gather %scan3A_79#9[%gather3A_175] in [0] : vector<16xf32>, vector<16xi32> -> vector<16xf32>
    %add3A_177 = arith.addf %scan3A_79#9, %gather3A_176 : vector<16xf32>
    %and3A_178 = arith.constant 1 : i32
    %and3A_179 = vector.broadcast %and3A_178 : i32 to vector<16xi32>
    %and3A_180 = arith.andi %iota3A, %and3A_179 : vector<16xi32>
    %eq3A_181 = arith.constant 0 : i32
    %eq3A_182 = vector.broadcast %eq3A_181 : i32 to vector<16xi32>
    %eq3A_183 = arith.cmpi eq, %and3A_180, %eq3A_182 : vector<16xi32>
    %select_n3A_184 = arith.select %eq3A_183, %add3A_170, %add3A_177 : vector<16xi1>, vector<16xf32>
    %xor3A_185 = arith.constant 1 : i32
    %xor3A_186 = vector.broadcast %xor3A_185 : i32 to vector<16xi32>
    %xor3A_187 = arith.xori %iota3A, %xor3A_186 : vector<16xi32>
    %broadcast_in_dim3A_188 = vector.shape_cast %xor3A_187 : vector<16xi32> to vector<16x1xi32>
    %gather3A_189 = vector.shape_cast %broadcast_in_dim3A_188 : vector<16x1xi32> to vector<16xi32>
    %gather3A_190 = tpu.dynamic_gather %scan3A_79#10[%gather3A_189] in [0] : vector<16xf32>, vector<16xi32> -> vector<16xf32>
    %add3A_191 = arith.addf %scan3A_79#10, %gather3A_190 : vector<16xf32>
    %xor3A_192 = arith.constant 1 : i32
    %xor3A_193 = vector.broadcast %xor3A_192 : i32 to vector<16xi32>
    %xor3A_194 = arith.xori %iota3A, %xor3A_193 : vector<16xi32>
    %broadcast_in_dim3A_195 = vector.shape_cast %xor3A_194 : vector<16xi32> to vector<16x1xi32>
    %gather3A_196 = vector.shape_cast %broadcast_in_dim3A_195 : vector<16x1xi32> to vector<16xi32>
    %gather3A_197 = tpu.dynamic_gather %scan3A_79#11[%gather3A_196] in [0] : vector<16xf32>, vector<16xi32> -> vector<16xf32>
    %add3A_198 = arith.addf %scan3A_79#11, %gather3A_197 : vector<16xf32>
    %and3A_199 = arith.constant 1 : i32
    %and3A_200 = vector.broadcast %and3A_199 : i32 to vector<16xi32>
    %and3A_201 = arith.andi %iota3A, %and3A_200 : vector<16xi32>
    %eq3A_202 = arith.constant 0 : i32
    %eq3A_203 = vector.broadcast %eq3A_202 : i32 to vector<16xi32>
    %eq3A_204 = arith.cmpi eq, %and3A_201, %eq3A_203 : vector<16xi32>
    %select_n3A_205 = arith.select %eq3A_204, %add3A_191, %add3A_198 : vector<16xi1>, vector<16xf32>
    %xor3A_206 = arith.constant 1 : i32
    %xor3A_207 = vector.broadcast %xor3A_206 : i32 to vector<16xi32>
    %xor3A_208 = arith.xori %iota3A, %xor3A_207 : vector<16xi32>
    %broadcast_in_dim3A_209 = vector.shape_cast %xor3A_208 : vector<16xi32> to vector<16x1xi32>
    %gather3A_210 = vector.shape_cast %broadcast_in_dim3A_209 : vector<16x1xi32> to vector<16xi32>
    %gather3A_211 = tpu.dynamic_gather %scan3A_79#12[%gather3A_210] in [0] : vector<16xf32>, vector<16xi32> -> vector<16xf32>
    %add3A_212 = arith.addf %scan3A_79#12, %gather3A_211 : vector<16xf32>
    %xor3A_213 = arith.constant 1 : i32
    %xor3A_214 = vector.broadcast %xor3A_213 : i32 to vector<16xi32>
    %xor3A_215 = arith.xori %iota3A, %xor3A_214 : vector<16xi32>
    %broadcast_in_dim3A_216 = vector.shape_cast %xor3A_215 : vector<16xi32> to vector<16x1xi32>
    %gather3A_217 = vector.shape_cast %broadcast_in_dim3A_216 : vector<16x1xi32> to vector<16xi32>
    %gather3A_218 = tpu.dynamic_gather %scan3A_79#13[%gather3A_217] in [0] : vector<16xf32>, vector<16xi32> -> vector<16xf32>
    %add3A_219 = arith.addf %scan3A_79#13, %gather3A_218 : vector<16xf32>
    %and3A_220 = arith.constant 1 : i32
    %and3A_221 = vector.broadcast %and3A_220 : i32 to vector<16xi32>
    %and3A_222 = arith.andi %iota3A, %and3A_221 : vector<16xi32>
    %eq3A_223 = arith.constant 0 : i32
    %eq3A_224 = vector.broadcast %eq3A_223 : i32 to vector<16xi32>
    %eq3A_225 = arith.cmpi eq, %and3A_222, %eq3A_224 : vector<16xi32>
    %select_n3A_226 = arith.select %eq3A_225, %add3A_212, %add3A_219 : vector<16xi1>, vector<16xf32>
    %xor3A_227 = arith.constant 1 : i32
    %xor3A_228 = vector.broadcast %xor3A_227 : i32 to vector<16xi32>
    %xor3A_229 = arith.xori %iota3A, %xor3A_228 : vector<16xi32>
    %broadcast_in_dim3A_230 = vector.shape_cast %xor3A_229 : vector<16xi32> to vector<16x1xi32>
    %gather3A_231 = vector.shape_cast %broadcast_in_dim3A_230 : vector<16x1xi32> to vector<16xi32>
    %gather3A_232 = tpu.dynamic_gather %scan3A_79#14[%gather3A_231] in [0] : vector<16xf32>, vector<16xi32> -> vector<16xf32>
    %add3A_233 = arith.addf %scan3A_79#14, %gather3A_232 : vector<16xf32>
    %xor3A_234 = arith.constant 1 : i32
    %xor3A_235 = vector.broadcast %xor3A_234 : i32 to vector<16xi32>
    %xor3A_236 = arith.xori %iota3A, %xor3A_235 : vector<16xi32>
    %broadcast_in_dim3A_237 = vector.shape_cast %xor3A_236 : vector<16xi32> to vector<16x1xi32>
    %gather3A_238 = vector.shape_cast %broadcast_in_dim3A_237 : vector<16x1xi32> to vector<16xi32>
    %gather3A_239 = tpu.dynamic_gather %broadcast_in_dim3A_75[%gather3A_238] in [0] : vector<16xf32>, vector<16xi32> -> vector<16xf32>
    %add3A_240 = arith.addf %broadcast_in_dim3A_75, %gather3A_239 : vector<16xf32>
    %and3A_241 = arith.constant 1 : i32
    %and3A_242 = vector.broadcast %and3A_241 : i32 to vector<16xi32>
    %and3A_243 = arith.andi %iota3A, %and3A_242 : vector<16xi32>
    %eq3A_244 = arith.constant 0 : i32
    %eq3A_245 = vector.broadcast %eq3A_244 : i32 to vector<16xi32>
    %eq3A_246 = arith.cmpi eq, %and3A_243, %eq3A_245 : vector<16xi32>
    %select_n3A_247 = arith.select %eq3A_246, %add3A_233, %add3A_240 : vector<16xi1>, vector<16xf32>
    %xor3A_248 = arith.constant 2 : i32
    %xor3A_249 = vector.broadcast %xor3A_248 : i32 to vector<16xi32>
    %xor3A_250 = arith.xori %iota3A, %xor3A_249 : vector<16xi32>
    %broadcast_in_dim3A_251 = vector.shape_cast %xor3A_250 : vector<16xi32> to vector<16x1xi32>
    %gather3A_252 = vector.shape_cast %broadcast_in_dim3A_251 : vector<16x1xi32> to vector<16xi32>
    %gather3A_253 = tpu.dynamic_gather %select_n3A_100[%gather3A_252] in [0] : vector<16xf32>, vector<16xi32> -> vector<16xf32>
    %add3A_254 = arith.addf %select_n3A_100, %gather3A_253 : vector<16xf32>
    %xor3A_255 = arith.constant 2 : i32
    %xor3A_256 = vector.broadcast %xor3A_255 : i32 to vector<16xi32>
    %xor3A_257 = arith.xori %iota3A, %xor3A_256 : vector<16xi32>
    %broadcast_in_dim3A_258 = vector.shape_cast %xor3A_257 : vector<16xi32> to vector<16x1xi32>
    %gather3A_259 = vector.shape_cast %broadcast_in_dim3A_258 : vector<16x1xi32> to vector<16xi32>
    %gather3A_260 = tpu.dynamic_gather %select_n3A_121[%gather3A_259] in [0] : vector<16xf32>, vector<16xi32> -> vector<16xf32>
    %add3A_261 = arith.addf %select_n3A_121, %gather3A_260 : vector<16xf32>
    %and3A_262 = arith.constant 2 : i32
    %and3A_263 = vector.broadcast %and3A_262 : i32 to vector<16xi32>
    %and3A_264 = arith.andi %iota3A, %and3A_263 : vector<16xi32>
    %eq3A_265 = arith.constant 0 : i32
    %eq3A_266 = vector.broadcast %eq3A_265 : i32 to vector<16xi32>
    %eq3A_267 = arith.cmpi eq, %and3A_264, %eq3A_266 : vector<16xi32>
    %select_n3A_268 = arith.select %eq3A_267, %add3A_254, %add3A_261 : vector<16xi1>, vector<16xf32>
    %xor3A_269 = arith.constant 2 : i32
    %xor3A_270 = vector.broadcast %xor3A_269 : i32 to vector<16xi32>
    %xor3A_271 = arith.xori %iota3A, %xor3A_270 : vector<16xi32>
    %broadcast_in_dim3A_272 = vector.shape_cast %xor3A_271 : vector<16xi32> to vector<16x1xi32>
    %gather3A_273 = vector.shape_cast %broadcast_in_dim3A_272 : vector<16x1xi32> to vector<16xi32>
    %gather3A_274 = tpu.dynamic_gather %select_n3A_142[%gather3A_273] in [0] : vector<16xf32>, vector<16xi32> -> vector<16xf32>
    %add3A_275 = arith.addf %select_n3A_142, %gather3A_274 : vector<16xf32>
    %xor3A_276 = arith.constant 2 : i32
    %xor3A_277 = vector.broadcast %xor3A_276 : i32 to vector<16xi32>
    %xor3A_278 = arith.xori %iota3A, %xor3A_277 : vector<16xi32>
    %broadcast_in_dim3A_279 = vector.shape_cast %xor3A_278 : vector<16xi32> to vector<16x1xi32>
    %gather3A_280 = vector.shape_cast %broadcast_in_dim3A_279 : vector<16x1xi32> to vector<16xi32>
    %gather3A_281 = tpu.dynamic_gather %select_n3A_163[%gather3A_280] in [0] : vector<16xf32>, vector<16xi32> -> vector<16xf32>
    %add3A_282 = arith.addf %select_n3A_163, %gather3A_281 : vector<16xf32>
    %and3A_283 = arith.constant 2 : i32
    %and3A_284 = vector.broadcast %and3A_283 : i32 to vector<16xi32>
    %and3A_285 = arith.andi %iota3A, %and3A_284 : vector<16xi32>
    %eq3A_286 = arith.constant 0 : i32
    %eq3A_287 = vector.broadcast %eq3A_286 : i32 to vector<16xi32>
    %eq3A_288 = arith.cmpi eq, %and3A_285, %eq3A_287 : vector<16xi32>
    %select_n3A_289 = arith.select %eq3A_288, %add3A_275, %add3A_282 : vector<16xi1>, vector<16xf32>
    %xor3A_290 = arith.constant 2 : i32
    %xor3A_291 = vector.broadcast %xor3A_290 : i32 to vector<16xi32>
    %xor3A_292 = arith.xori %iota3A, %xor3A_291 : vector<16xi32>
    %broadcast_in_dim3A_293 = vector.shape_cast %xor3A_292 : vector<16xi32> to vector<16x1xi32>
    %gather3A_294 = vector.shape_cast %broadcast_in_dim3A_293 : vector<16x1xi32> to vector<16xi32>
    %gather3A_295 = tpu.dynamic_gather %select_n3A_184[%gather3A_294] in [0] : vector<16xf32>, vector<16xi32> -> vector<16xf32>
    %add3A_296 = arith.addf %select_n3A_184, %gather3A_295 : vector<16xf32>
    %xor3A_297 = arith.constant 2 : i32
    %xor3A_298 = vector.broadcast %xor3A_297 : i32 to vector<16xi32>
    %xor3A_299 = arith.xori %iota3A, %xor3A_298 : vector<16xi32>
    %broadcast_in_dim3A_300 = vector.shape_cast %xor3A_299 : vector<16xi32> to vector<16x1xi32>
    %gather3A_301 = vector.shape_cast %broadcast_in_dim3A_300 : vector<16x1xi32> to vector<16xi32>
    %gather3A_302 = tpu.dynamic_gather %select_n3A_205[%gather3A_301] in [0] : vector<16xf32>, vector<16xi32> -> vector<16xf32>
    %add3A_303 = arith.addf %select_n3A_205, %gather3A_302 : vector<16xf32>
    %and3A_304 = arith.constant 2 : i32
    %and3A_305 = vector.broadcast %and3A_304 : i32 to vector<16xi32>
    %and3A_306 = arith.andi %iota3A, %and3A_305 : vector<16xi32>
    %eq3A_307 = arith.constant 0 : i32
    %eq3A_308 = vector.broadcast %eq3A_307 : i32 to vector<16xi32>
    %eq3A_309 = arith.cmpi eq, %and3A_306, %eq3A_308 : vector<16xi32>
    %select_n3A_310 = arith.select %eq3A_309, %add3A_296, %add3A_303 : vector<16xi1>, vector<16xf32>
    %xor3A_311 = arith.constant 2 : i32
    %xor3A_312 = vector.broadcast %xor3A_311 : i32 to vector<16xi32>
    %xor3A_313 = arith.xori %iota3A, %xor3A_312 : vector<16xi32>
    %broadcast_in_dim3A_314 = vector.shape_cast %xor3A_313 : vector<16xi32> to vector<16x1xi32>
    %gather3A_315 = vector.shape_cast %broadcast_in_dim3A_314 : vector<16x1xi32> to vector<16xi32>
    %gather3A_316 = tpu.dynamic_gather %select_n3A_226[%gather3A_315] in [0] : vector<16xf32>, vector<16xi32> -> vector<16xf32>
    %add3A_317 = arith.addf %select_n3A_226, %gather3A_316 : vector<16xf32>
    %xor3A_318 = arith.constant 2 : i32
    %xor3A_319 = vector.broadcast %xor3A_318 : i32 to vector<16xi32>
    %xor3A_320 = arith.xori %iota3A, %xor3A_319 : vector<16xi32>
    %broadcast_in_dim3A_321 = vector.shape_cast %xor3A_320 : vector<16xi32> to vector<16x1xi32>
    %gather3A_322 = vector.shape_cast %broadcast_in_dim3A_321 : vector<16x1xi32> to vector<16xi32>
    %gather3A_323 = tpu.dynamic_gather %select_n3A_247[%gather3A_322] in [0] : vector<16xf32>, vector<16xi32> -> vector<16xf32>
    %add3A_324 = arith.addf %select_n3A_247, %gather3A_323 : vector<16xf32>
    %and3A_325 = arith.constant 2 : i32
    %and3A_326 = vector.broadcast %and3A_325 : i32 to vector<16xi32>
    %and3A_327 = arith.andi %iota3A, %and3A_326 : vector<16xi32>
    %eq3A_328 = arith.constant 0 : i32
    %eq3A_329 = vector.broadcast %eq3A_328 : i32 to vector<16xi32>
    %eq3A_330 = arith.cmpi eq, %and3A_327, %eq3A_329 : vector<16xi32>
    %select_n3A_331 = arith.select %eq3A_330, %add3A_317, %add3A_324 : vector<16xi1>, vector<16xf32>
    %xor3A_332 = arith.constant 4 : i32
    %xor3A_333 = vector.broadcast %xor3A_332 : i32 to vector<16xi32>
    %xor3A_334 = arith.xori %iota3A, %xor3A_333 : vector<16xi32>
    %broadcast_in_dim3A_335 = vector.shape_cast %xor3A_334 : vector<16xi32> to vector<16x1xi32>
    %gather3A_336 = vector.shape_cast %broadcast_in_dim3A_335 : vector<16x1xi32> to vector<16xi32>
    %gather3A_337 = tpu.dynamic_gather %select_n3A_268[%gather3A_336] in [0] : vector<16xf32>, vector<16xi32> -> vector<16xf32>
    %add3A_338 = arith.addf %select_n3A_268, %gather3A_337 : vector<16xf32>
    %xor3A_339 = arith.constant 4 : i32
    %xor3A_340 = vector.broadcast %xor3A_339 : i32 to vector<16xi32>
    %xor3A_341 = arith.xori %iota3A, %xor3A_340 : vector<16xi32>
    %broadcast_in_dim3A_342 = vector.shape_cast %xor3A_341 : vector<16xi32> to vector<16x1xi32>
    %gather3A_343 = vector.shape_cast %broadcast_in_dim3A_342 : vector<16x1xi32> to vector<16xi32>
    %gather3A_344 = tpu.dynamic_gather %select_n3A_289[%gather3A_343] in [0] : vector<16xf32>, vector<16xi32> -> vector<16xf32>
    %add3A_345 = arith.addf %select_n3A_289, %gather3A_344 : vector<16xf32>
    %and3A_346 = arith.constant 4 : i32
    %and3A_347 = vector.broadcast %and3A_346 : i32 to vector<16xi32>
    %and3A_348 = arith.andi %iota3A, %and3A_347 : vector<16xi32>
    %eq3A_349 = arith.constant 0 : i32
    %eq3A_350 = vector.broadcast %eq3A_349 : i32 to vector<16xi32>
    %eq3A_351 = arith.cmpi eq, %and3A_348, %eq3A_350 : vector<16xi32>
    %select_n3A_352 = arith.select %eq3A_351, %add3A_338, %add3A_345 : vector<16xi1>, vector<16xf32>
    %xor3A_353 = arith.constant 4 : i32
    %xor3A_354 = vector.broadcast %xor3A_353 : i32 to vector<16xi32>
    %xor3A_355 = arith.xori %iota3A, %xor3A_354 : vector<16xi32>
    %broadcast_in_dim3A_356 = vector.shape_cast %xor3A_355 : vector<16xi32> to vector<16x1xi32>
    %gather3A_357 = vector.shape_cast %broadcast_in_dim3A_356 : vector<16x1xi32> to vector<16xi32>
    %gather3A_358 = tpu.dynamic_gather %select_n3A_310[%gather3A_357] in [0] : vector<16xf32>, vector<16xi32> -> vector<16xf32>
    %add3A_359 = arith.addf %select_n3A_310, %gather3A_358 : vector<16xf32>
    %xor3A_360 = arith.constant 4 : i32
    %xor3A_361 = vector.broadcast %xor3A_360 : i32 to vector<16xi32>
    %xor3A_362 = arith.xori %iota3A, %xor3A_361 : vector<16xi32>
    %broadcast_in_dim3A_363 = vector.shape_cast %xor3A_362 : vector<16xi32> to vector<16x1xi32>
    %gather3A_364 = vector.shape_cast %broadcast_in_dim3A_363 : vector<16x1xi32> to vector<16xi32>
    %gather3A_365 = tpu.dynamic_gather %select_n3A_331[%gather3A_364] in [0] : vector<16xf32>, vector<16xi32> -> vector<16xf32>
    %add3A_366 = arith.addf %select_n3A_331, %gather3A_365 : vector<16xf32>
    %and3A_367 = arith.constant 4 : i32
    %and3A_368 = vector.broadcast %and3A_367 : i32 to vector<16xi32>
    %and3A_369 = arith.andi %iota3A, %and3A_368 : vector<16xi32>
    %eq3A_370 = arith.constant 0 : i32
    %eq3A_371 = vector.broadcast %eq3A_370 : i32 to vector<16xi32>
    %eq3A_372 = arith.cmpi eq, %and3A_369, %eq3A_371 : vector<16xi32>
    %select_n3A_373 = arith.select %eq3A_372, %add3A_359, %add3A_366 : vector<16xi1>, vector<16xf32>
    %xor3A_374 = arith.constant 8 : i32
    %xor3A_375 = vector.broadcast %xor3A_374 : i32 to vector<16xi32>
    %xor3A_376 = arith.xori %iota3A, %xor3A_375 : vector<16xi32>
    %broadcast_in_dim3A_377 = vector.shape_cast %xor3A_376 : vector<16xi32> to vector<16x1xi32>
    %gather3A_378 = vector.shape_cast %broadcast_in_dim3A_377 : vector<16x1xi32> to vector<16xi32>
    %gather3A_379 = tpu.dynamic_gather %select_n3A_352[%gather3A_378] in [0] : vector<16xf32>, vector<16xi32> -> vector<16xf32>
    %add3A_380 = arith.addf %select_n3A_352, %gather3A_379 : vector<16xf32>
    %xor3A_381 = arith.constant 8 : i32
    %xor3A_382 = vector.broadcast %xor3A_381 : i32 to vector<16xi32>
    %xor3A_383 = arith.xori %iota3A, %xor3A_382 : vector<16xi32>
    %broadcast_in_dim3A_384 = vector.shape_cast %xor3A_383 : vector<16xi32> to vector<16x1xi32>
    %gather3A_385 = vector.shape_cast %broadcast_in_dim3A_384 : vector<16x1xi32> to vector<16xi32>
    %gather3A_386 = tpu.dynamic_gather %select_n3A_373[%gather3A_385] in [0] : vector<16xf32>, vector<16xi32> -> vector<16xf32>
    %add3A_387 = arith.addf %select_n3A_373, %gather3A_386 : vector<16xf32>
    %and3A_388 = arith.constant 8 : i32
    %and3A_389 = vector.broadcast %and3A_388 : i32 to vector<16xi32>
    %and3A_390 = arith.andi %iota3A, %and3A_389 : vector<16xi32>
    %eq3A_391 = arith.constant 0 : i32
    %eq3A_392 = vector.broadcast %eq3A_391 : i32 to vector<16xi32>
    %eq3A_393 = arith.cmpi eq, %and3A_390, %eq3A_392 : vector<16xi32>
    %select_n3A_394 = arith.select %eq3A_393, %add3A_380, %add3A_387 : vector<16xi1>, vector<16xf32>
    %swap3A_395 = arith.constant 0 : index
    %swap3A_396 = tpu.vector_load %arg8[%swap3A_395] {strides = array<i32>} : memref<16xf32, #tpu.memory_space<vmem>>, vector<16xf32>,
    %swap3A_397 = vector.shape_cast %swap3A_396 : vector<16xf32> to vector<16xf32>
    %swap3A_398 = vector.shape_cast %select_n3A_394 : vector<16xf32> to vector<16xf32>
    tpu.vector_store %arg8[%swap3A_395], %swap3A_398 {strides = array<i32>} : memref<16xf32, #tpu.memory_space<vmem>>, vector<16xf32>,
    %mul3A_399 = arith.constant 8 : i32
    %mul3A_400 = arith.muli %mul3A_399, %select_n3A_30 : i32
    "tpu.region"() ({
      %run_scoped3A = tpu.sem_alloc : memref<!tpu.dma_semaphore, #tpu.memory_space<semaphore_mem>>
      %dma_start3A_405 = arith.constant 0 : i32
      %dma_start3A_406 = tpu.memref_slice %arg8[%dma_start3A_405] : memref<16xf32, #tpu.memory_space<vmem>> -> memref<8xf32, #tpu.memory_space<vmem>>
      %dma_start3A_407 = tpu.memref_slice %arg4[%select_n3A, %mul3A_400] : memref<4x128xf32, #tpu.memory_space<hbm>> -> memref<1x8xf32, #tpu.memory_space<hbm>>
      %dma_start3A_408 = tpu.memref_squeeze %dma_start3A_407 : memref<1x8xf32, #tpu.memory_space<hbm>> -> memref<8xf32, #tpu.memory_space<hbm>>
      %dma_start3A_409 = tpu.memref_slice %arg4[%select_n3A, %mul3A_400] : memref<4x128xf32, #tpu.memory_space<hbm>> -> memref<1x8xf32, #tpu.memory_space<hbm>>
      %dma_start3A_410 = tpu.memref_squeeze %dma_start3A_409 : memref<1x8xf32, #tpu.memory_space<hbm>> -> memref<8xf32, #tpu.memory_space<hbm>>
      %dma_start3A_411 = arith.constant 0 : i32
      %dma_start3A_412 = tpu.memref_slice %arg8[%dma_start3A_411] : memref<16xf32, #tpu.memory_space<vmem>> -> memref<8xf32, #tpu.memory_space<vmem>>
      tpu.enqueue_dma source(%dma_start3A_412 : memref<8xf32, #tpu.memory_space<vmem>>) target(%dma_start3A_410 : memref<8xf32, #tpu.memory_space<hbm>>) target_semaphore(%run_scoped3A : memref<!tpu.dma_semaphore, #tpu.memory_space<semaphore_mem>>)
      %dma_wait3A_413 = arith.constant 0 : i32
      %dma_wait3A_414 = tpu.memref_slice %arg8[%dma_wait3A_413] : memref<16xf32, #tpu.memory_space<vmem>> -> memref<8xf32, #tpu.memory_space<vmem>>
      %dma_wait3A_415 = tpu.memref_slice %arg4[%select_n3A, %mul3A_400] : memref<4x128xf32, #tpu.memory_space<hbm>> -> memref<1x8xf32, #tpu.memory_space<hbm>>
      %dma_wait3A_416 = tpu.memref_squeeze %dma_wait3A_415 : memref<1x8xf32, #tpu.memory_space<hbm>> -> memref<8xf32, #tpu.memory_space<hbm>>
      %dma_wait3A_417 = tpu.memref_slice %arg4[%select_n3A, %mul3A_400] : memref<4x128xf32, #tpu.memory_space<hbm>> -> memref<1x8xf32, #tpu.memory_space<hbm>>
      %dma_wait3A_418 = tpu.memref_squeeze %dma_wait3A_417 : memref<1x8xf32, #tpu.memory_space<hbm>> -> memref<8xf32, #tpu.memory_space<hbm>>
      %dma_wait3A_419 = arith.constant 0 : i32
      %dma_wait3A_420 = tpu.memref_slice %arg8[%dma_wait3A_419] : memref<16xf32, #tpu.memory_space<vmem>> -> memref<8xf32, #tpu.memory_space<vmem>>
      tpu.wait_dma2 semaphore(%run_scoped3A : memref<!tpu.dma_semaphore, #tpu.memory_space<semaphore_mem>>) src(%dma_wait3A_420 : memref<8xf32, #tpu.memory_space<vmem>>) dst(%dma_wait3A_418 : memref<8xf32, #tpu.memory_space<hbm>>)
      tpu.yield
    }) : () -> ()
    %mul3A_401 = arith.constant 8 : i32
    %mul3A_402 = arith.muli %mul3A_401, %select_n3A_30 : i32
    %add3A_403 = arith.constant 64 : i32
    %add3A_404 = arith.addi %add3A_403, %mul3A_402 : i32
    "tpu.region"() ({
      %run_scoped3A = tpu.sem_alloc : memref<!tpu.dma_semaphore, #tpu.memory_space<semaphore_mem>>
      %dma_start3A_405 = arith.constant 8 : i32
      %dma_start3A_406 = tpu.memref_slice %arg8[%dma_start3A_405] : memref<16xf32, #tpu.memory_space<vmem>> -> memref<8xf32, #tpu.memory_space<vmem>>
      %dma_start3A_407 = tpu.memref_slice %arg4[%select_n3A, %add3A_404] : memref<4x128xf32, #tpu.memory_space<hbm>> -> memref<1x8xf32, #tpu.memory_space<hbm>>
      %dma_start3A_408 = tpu.memref_squeeze %dma_start3A_407 : memref<1x8xf32, #tpu.memory_space<hbm>> -> memref<8xf32, #tpu.memory_space<hbm>>
      %dma_start3A_409 = tpu.memref_slice %arg4[%select_n3A, %add3A_404] : memref<4x128xf32, #tpu.memory_space<hbm>> -> memref<1x8xf32, #tpu.memory_space<hbm>>
      %dma_start3A_410 = tpu.memref_squeeze %dma_start3A_409 : memref<1x8xf32, #tpu.memory_space<hbm>> -> memref<8xf32, #tpu.memory_space<hbm>>
      %dma_start3A_411 = arith.constant 8 : i32
      %dma_start3A_412 = tpu.memref_slice %arg8[%dma_start3A_411] : memref<16xf32, #tpu.memory_space<vmem>> -> memref<8xf32, #tpu.memory_space<vmem>>
      tpu.enqueue_dma source(%dma_start3A_412 : memref<8xf32, #tpu.memory_space<vmem>>) target(%dma_start3A_410 : memref<8xf32, #tpu.memory_space<hbm>>) target_semaphore(%run_scoped3A : memref<!tpu.dma_semaphore, #tpu.memory_space<semaphore_mem>>)
      %dma_wait3A_413 = arith.constant 8 : i32
      %dma_wait3A_414 = tpu.memref_slice %arg8[%dma_wait3A_413] : memref<16xf32, #tpu.memory_space<vmem>> -> memref<8xf32, #tpu.memory_space<vmem>>
      %dma_wait3A_415 = tpu.memref_slice %arg4[%select_n3A, %add3A_404] : memref<4x128xf32, #tpu.memory_space<hbm>> -> memref<1x8xf32, #tpu.memory_space<hbm>>
      %dma_wait3A_416 = tpu.memref_squeeze %dma_wait3A_415 : memref<1x8xf32, #tpu.memory_space<hbm>> -> memref<8xf32, #tpu.memory_space<hbm>>
      %dma_wait3A_417 = tpu.memref_slice %arg4[%select_n3A, %add3A_404] : memref<4x128xf32, #tpu.memory_space<hbm>> -> memref<1x8xf32, #tpu.memory_space<hbm>>
      %dma_wait3A_418 = tpu.memref_squeeze %dma_wait3A_417 : memref<1x8xf32, #tpu.memory_space<hbm>> -> memref<8xf32, #tpu.memory_space<hbm>>
      %dma_wait3A_419 = arith.constant 8 : i32
      %dma_wait3A_420 = tpu.memref_slice %arg8[%dma_wait3A_419] : memref<16xf32, #tpu.memory_space<vmem>> -> memref<8xf32, #tpu.memory_space<vmem>>
      tpu.wait_dma2 semaphore(%run_scoped3A : memref<!tpu.dma_semaphore, #tpu.memory_space<semaphore_mem>>) src(%dma_wait3A_420 : memref<8xf32, #tpu.memory_space<vmem>>) dst(%dma_wait3A_418 : memref<8xf32, #tpu.memory_space<hbm>>)
      tpu.yield
    }) : () -> ()
    return
  }
}

module attributes {stable_mosaic.version = 14 : i64} {
  func.func @_tc_finish(%arg0: memref<4x128xf32, #tpu.memory_space<vmem>>, %arg1: memref<4x1xi32, #tpu.memory_space<vmem>>, %arg2: memref<4x49xf32, #tpu.memory_space<vmem>>, %arg3: memref<1x1xf32, #tpu.memory_space<vmem>>) attributes {dimension_semantics = [], scalar_prefetch = 0 : i64, scratch_operands = 0 : i64, tpu.core_type = #tpu.core_type<tc>} {
    %get3A = arith.constant 0 : index
    %get3A_0 = arith.constant 0 : index
    %get3A_1 = vector.load %arg0[%get3A, %get3A_0] : memref<4x128xf32, #tpu.memory_space<vmem>>, vector<4x128xf32>
    %slice3A = vector.extract_strided_slice %get3A_1 {offsets = [0, 0], sizes = [4, 64], strides = [1, 1]} : vector<4x128xf32> to vector<4x64xf32>
    %slice3A_2 = vector.extract_strided_slice %get3A_1 {offsets = [0, 64], sizes = [4, 64], strides = [1, 1]} : vector<4x128xf32> to vector<4x64xf32>
    %slice3A_3 = vector.extract_strided_slice %slice3A {offsets = [0, 7], sizes = [4, 1], strides = [1, 1]} : vector<4x64xf32> to vector<4x1xf32>
    %iota3A = tpu.iota {dimensions = array<i32: 1>} : vector<4x64xi32>
    %div3A = arith.constant 8 : i32
    %div3A_4 = vector.broadcast %div3A : i32 to vector<4x64xi32>
    %div3A_5 = arith.divsi %iota3A, %div3A_4 : vector<4x64xi32>
    %rem3A = arith.constant 8 : i32
    %rem3A_6 = vector.broadcast %rem3A : i32 to vector<4x64xi32>
    %rem3A_7 = arith.remsi %iota3A, %rem3A_6 : vector<4x64xi32>
    %lt3A = arith.constant 7 : i32
    %lt3A_8 = vector.broadcast %lt3A : i32 to vector<4x64xi32>
    %lt3A_9 = arith.cmpi slt, %div3A_5, %lt3A_8 : vector<4x64xi32>
    %lt3A_10 = arith.constant 7 : i32
    %lt3A_11 = vector.broadcast %lt3A_10 : i32 to vector<4x64xi32>
    %lt3A_12 = arith.cmpi slt, %rem3A_7, %lt3A_11 : vector<4x64xi32>
    %and3A = arith.andi %lt3A_9, %lt3A_12 : vector<4x64xi1>
    %mul3A = vector.broadcast %slice3A_3 : vector<4x1xf32> to vector<4x64xf32>
    %mul3A_13 = arith.mulf %slice3A_2, %mul3A : vector<4x64xf32>
    %sqrt3A = math.sqrt %mul3A_13 : vector<4x64xf32>
    %max3A = arith.constant 9.99999997E-7 : f32
    %max3A_14 = vector.broadcast %max3A : f32 to vector<4x64xf32>
    %max3A_15 = arith.maximumf %sqrt3A, %max3A_14 : vector<4x64xf32>
    %div3A_16 = arith.divf %slice3A, %max3A_15 : vector<4x64xf32>
    %jit3A = arith.constant 0.000000e+00 : f32
    %broadcast_in_dim3A = vector.broadcast %jit3A : f32 to vector<4x64xf32>
    %select_n3A = arith.select %and3A, %div3A_16, %broadcast_in_dim3A : vector<4x64xi1>, vector<4x64xf32>
    %exp3A = math.exp %select_n3A : vector<4x64xf32>
    %jit3A_17 = arith.constant 0.000000e+00 : f32
    %broadcast_in_dim3A_18 = vector.broadcast %jit3A_17 : f32 to vector<4x64xf32>
    %select_n3A_19 = arith.select %and3A, %exp3A, %broadcast_in_dim3A_18 : vector<4x64xi1>, vector<4x64xf32>
    %reduce_sum3A = arith.constant dense<0.000000e+00> : vector<4xf32>
    %reduce_sum3A_20 = vector.multi_reduction <add>, %select_n3A_19, %reduce_sum3A [1] : vector<4x64xf32> to vector<4xf32>
    %broadcast_in_dim3A_21 = vector.shape_cast %reduce_sum3A_20 : vector<4xf32> to vector<4x1xf32>
    %log3A = math.log %broadcast_in_dim3A_21 : vector<4x1xf32>
    %mul3A_22 = arith.constant 7 : i32
    %mul3A_23 = vector.broadcast %mul3A_22 : i32 to vector<4x64xi32>
    %mul3A_24 = arith.muli %div3A_5, %mul3A_23 : vector<4x64xi32>
    %add3A = arith.addi %mul3A_24, %rem3A_7 : vector<4x64xi32>
    %get3A_25 = arith.constant 0 : index
    %get3A_26 = arith.constant 0 : index
    %get3A_27 = vector.load %arg1[%get3A_25, %get3A_26] : memref<4x1xi32, #tpu.memory_space<vmem>>, vector<4x1xi32>
    %eq3A = vector.broadcast %get3A_27 : vector<4x1xi32> to vector<4x64xi32>
    %eq3A_28 = arith.cmpi eq, %add3A, %eq3A : vector<4x64xi32>
    %and3A_29 = arith.andi %and3A, %eq3A_28 : vector<4x64xi1>
    %jit3A_30 = arith.constant 0.000000e+00 : f32
    %broadcast_in_dim3A_31 = vector.broadcast %jit3A_30 : f32 to vector<4x64xf32>
    %select_n3A_32 = arith.select %and3A_29, %select_n3A, %broadcast_in_dim3A_31 : vector<4x64xi1>, vector<4x64xf32>
    %reduce_sum3A_33 = arith.constant dense<0.000000e+00> : vector<4xf32>
    %reduce_sum3A_34 = vector.multi_reduction <add>, %select_n3A_32, %reduce_sum3A_33 [1] : vector<4x64xf32> to vector<4xf32>
    %broadcast_in_dim3A_35 = vector.shape_cast %reduce_sum3A_34 : vector<4xf32> to vector<4x1xf32>
    %sub3A = arith.subf %log3A, %broadcast_in_dim3A_35 : vector<4x1xf32>
    %reduce_sum3A_36 = arith.constant dense<0.000000e+00> : vector<1xf32>
    %reduce_sum3A_37 = vector.multi_reduction <add>, %sub3A, %reduce_sum3A_36 [0] : vector<4x1xf32> to vector<1xf32>
    %broadcast_in_dim3A_38 = vector.shape_cast %reduce_sum3A_37 : vector<1xf32> to vector<1x1xf32>
    %div3A_39 = arith.constant 4.000000e+00 : f32
    %div3A_40 = vector.broadcast %div3A_39 : f32 to vector<1x1xf32>
    %div3A_41 = arith.divf %broadcast_in_dim3A_38, %div3A_40 : vector<1x1xf32>
    %swap3A = arith.constant 0 : index
    %swap3A_42 = arith.constant 0 : index
    %swap3A_43 = vector.load %arg3[%swap3A, %swap3A_42] : memref<1x1xf32, #tpu.memory_space<vmem>>, vector<1x1xf32>
    tpu.vector_store %arg3[%swap3A, %swap3A_42], %div3A_41 {strides = array<i32>} : memref<1x1xf32, #tpu.memory_space<vmem>>, vector<1x1xf32>,
    %iota3A_44 = tpu.iota {dimensions = array<i32: 0>} : vector<64x49xi32>
    %iota3A_45 = tpu.iota {dimensions = array<i32: 1>} : vector<64x49xi32>
    %div3A_46 = arith.constant 7 : i32
    %div3A_47 = vector.broadcast %div3A_46 : i32 to vector<64x49xi32>
    %div3A_48 = arith.divsi %iota3A_45, %div3A_47 : vector<64x49xi32>
    %mul3A_49 = arith.constant 8 : i32
    %mul3A_50 = vector.broadcast %mul3A_49 : i32 to vector<64x49xi32>
    %mul3A_51 = arith.muli %mul3A_50, %div3A_48 : vector<64x49xi32>
    %rem3A_52 = arith.constant 7 : i32
    %rem3A_53 = vector.broadcast %rem3A_52 : i32 to vector<64x49xi32>
    %rem3A_54 = arith.remsi %iota3A_45, %rem3A_53 : vector<64x49xi32>
    %add3A_55 = arith.addi %mul3A_51, %rem3A_54 : vector<64x49xi32>
    %eq3A_56 = arith.cmpi eq, %iota3A_44, %add3A_55 : vector<64x49xi32>
    %convert_element_type3A = arith.extui %eq3A_56 : vector<64x49xi1> to vector<64x49xi32>
    %convert_element_type3A_57 = arith.sitofp %convert_element_type3A : vector<64x49xi32> to vector<64x49xf32>
    %dot_general3A = arith.constant dense<0.000000e+00> : vector<4x49xf32>
    %dot_general3A_58 = tpu.matmul %select_n3A, %convert_element_type3A_57, %dot_general3A {dimension_numbers = #tpu.dot_dimension_numbers<[1], [0], [0], [1], [0, 0, 1, 1], [], []>, precision = #tpu.contract_precision<fp32>, transpose_lhs_hint = false} : vector<4x64xf32>, vector<64x49xf32>, vector<4x49xf32> -> vector<4x49xf32>
    %swap3A_59 = arith.constant 0 : index
    %swap3A_60 = arith.constant 0 : index
    %swap3A_61 = vector.load %arg2[%swap3A_59, %swap3A_60] : memref<4x49xf32, #tpu.memory_space<vmem>>, vector<4x49xf32>
    tpu.vector_store %arg2[%swap3A_59, %swap3A_60], %dot_general3A_58 {strides = array<i32>} : memref<4x49xf32, #tpu.memory_space<vmem>>, vector<4x49xf32>,
    return
  }
}

</mosaic_0001>

<sc_bundles>
// kernel: kernel.4.cloned.1.call-start
scs
__scs_entry_jumppad:
0x0: {  	(pc) =	sbr.rel $0x88, $3  }
0x1: {  	(tag) =	ssettag $0x0;
	lr =	simm.s32 $0x1  }
0x2: {  	[smem:$0x3F9E] =	sst lr;
	_ =	strace $0xD0000000  }
0x3: {  	_ = 	snop  }
0x4: {  	_ = 	snop  }
0x5: {  	_ = 	snop  }
0x6: {  	_ = 	snop  }
0x7: {  	_ = 	snop  }
__scs_overlays_trampoline_lowered:
0x8: {  	[smem:$0x3FAD] =	sst s0  }
0x9: {  	[smem:$0x3FAE] =	sst s1  }
0xa: {  	[smem:$0x3FAF] =	sst s2  }
0xb: {  	[smem:$0x3FB0] =	sst s3  }
0xc: {  	[smem:$0x3FB1] =	sst s4  }
0xd: {  	[smem:$0x3FB2] =	sst s5  }
0xe: {  	[smem:$0x3FB3] =	sst s6  }
0xf: {  	[smem:$0x3FB4] =	sst s7  }
0x10: {  	[smem:$0x3FB5] =	sst s8  }
0x11: {  	[smem:$0x3FB6] =	sst s9;
	s0 =	simm.s32 @!p0 $0x0  }
0x12: {  	s1 =	sld [smem:$0x3F9C];
	s0 =	simm.s32 @p0 $0x1  }
0x13: {  	[smem:$0x3FB7] =	sst s0;
	s0 =	simm.s32 @!p1 $0x0  }
0x14: {  	s2 =	sld [smem:$0x3F9B];
	s0 =	simm.s32 @p1 $0x1  }
0x15: {  	[smem:$0x3FB8] =	sst s0;
	s0 =	simm.s32 @!p2 $0x0  }
0x16: {  	s3 =	sld [smem:$0x3FDB];
	s0 =	simm.s32 @p2 $0x1  }
0x17: {  	s4 =	simm.s32 $0x1BF5;
	[smem:$0x3FBA] =	sst s0  }
0x18: {  	s0 =	sld [smem:$0x3F9D];
	_ =	swait.ge [sflag:s4], $0x0  }
0x19: {  	s7 =	sld [smem:$0x3F9E]  }
0x1a: {  	s8 =	sadd.s32 $0xFFFFE003, lr  }
0x1b: {  	s9 =	sadd.s32 $0xFFFFFEF7, lr;
	s5 =	simm.s32 $0xFFFFFFFF;
	p2 =	slt.u32 s8, $0xFFFFF086  }
0x1c: {  	p1 =	slt.u32 s9, $0xF7A;
	s5 =	simm.s32 @!p2 $0x0  }
0x1d: {  	s5 =	simm.s32 @p1 $0x1;
	p0 =	seq.s32 s7, s2  }
0x1e: {  	s7 =	smul.u32 @!p0 $0xF7A, s2;
	p2 =	seq.s32 @!p0 s5, $0x0  }
0x1f: {  	s9 =	smul.u32 $0xF7A, s1;
	s8 =	simm.s32 @!p0 $0x1BF5;
	p2 =	por !p2, p0  }
0x20: {  	[sflag:s8] =	ssyncset.s32 @!p0 $0xFFFFF086;
	s6 =	sadd.s32 @!p0 s3, s7;
	s7 =	simm.s32 @!p0 $0x108  }
0x21: {  	s3 =	sadd.s32 s3, s9;
	s6 =	sadd.s32 @!p0 $0x88, s6;
	s7 =	simm.s32 @p2 $0x1082  }
0x22: {  	[simem:s7], [sflag:s8] =	dma.local @!p0 [hbm:s6], $0xF7A  }
0x23: {  	s9 =	sor.u32 $0xD0000000, s2;
	s6 =	simm.s32 $0x108;
	_ =	swait.ge @!p0 [sflag:s8], $0x0  }
0x24: {  	s3 =	sadd.s32 $0x88, s3;
	s6 =	simm.s32 @!p1 $0x1082;
	[sflag:s4] =	ssyncset.s32 $0xFFFFF086  }
0x25: {  	[simem:s6], [sflag:s4] =	dma.local [hbm:s3], $0xF7A  }
0x26: {  	[smem:$0x3F9E] =	sst s1;
	(tag) =	ssettag s2;
	_ =	strace s9  }
0x27: {  	s1 =	sld [smem:$0x3FAE]  }
0x28: {  	s2 =	sld [smem:$0x3FAF]  }
0x29: {  	s4 =	sld [smem:$0x3FB1]  }
0x2a: {  	p0 =	seq.s32 s5, $0x0;
	s5 =	sld [smem:$0x3FB2]  }
0x2b: {  	s6 =	sld [smem:$0x3FB3]  }
0x2c: {  	s7 =	sld [smem:$0x3FB4]  }
0x2d: {  	s3 =	simm.s32 $0x108;
	s8 =	sld [smem:$0x3FB5]  }
0x2e: {  	s3 =	simm.s32 @!p0 $0x1082;
	s9 =	sld [smem:$0x3FB6]  }
0x2f: {  	lr =	sadd.s32 s0, s3;
	s0 =	sld [smem:$0x3FAD]  }
0x30: {  	s3 =	sld [smem:$0x3FB0]  }
0x31: {  	[smem:$0x3FB9] =	sst s10  }
0x32: {  	s10 =	sld [smem:$0x3FB7];
	_ =	sdelay $0x3  }
0x33: {  	p0 =	seq.s32 s10, $0x1;
	s10 =	sld [smem:$0x3FB9];
	_ =	sdelay $0x3  }
0x34: {  	[smem:$0x3FB9] =	sst s10  }
0x35: {  	s10 =	sld [smem:$0x3FB8];
	_ =	sdelay $0x3  }
0x36: {  	p1 =	seq.s32 s10, $0x1;
	s10 =	sld [smem:$0x3FB9];
	_ =	sdelay $0x3  }
0x37: {  	[smem:$0x3FB9] =	sst s10  }
0x38: {  	s10 =	sld [smem:$0x3FBA]  }
0x39: {  	_ = 	snop;
	(pc) =	sbr.ind lr, $3  }
0x3a: {  	_ = 	snop  }
0x3b: {  	_ = 	snop  }
0x3c: {  	p2 =	seq.s32 s10, $0x1;
	s10 =	sld [smem:$0x3FB9]  }
0x3d: {  	_ =	shalt  }
0x3e: {  	_ =	shalt  }
0x3f: {  	_ =	shalt  }
0x40: {  	_ =	shalt  }
0x41: {  	_ =	shalt  }
0x42: {  	_ =	shalt  }
0x43: {  	_ =	shalt  }
0x44: {  	_ =	shalt  }
0x45: {  	_ =	shalt  }
0x46: {  	_ =	shalt  }
0x47: {  	_ =	shalt  }
0x48: {  	_ =	shalt  }
0x49: {  	_ =	shalt  }
0x4a: {  	_ =	shalt  }
0x4b: {  	_ =	shalt  }
0x4c: {  	_ =	shalt  }
0x4d: {  	_ =	shalt  }
0x4e: {  	_ =	shalt  }
0x4f: {  	_ =	shalt  }
0x50: {  	_ =	shalt  }
0x51: {  	_ =	shalt  }
0x52: {  	_ =	shalt  }
0x53: {  	_ =	shalt  }
0x54: {  	_ =	shalt  }
0x55: {  	_ =	shalt  }
0x56: {  	_ =	shalt  }
0x57: {  	_ =	shalt  }
0x58: {  	_ =	shalt  }
0x59: {  	_ =	shalt  }
0x5a: {  	_ =	shalt  }
0x5b: {  	_ =	shalt  }
0x5c: {  	_ =	shalt  }
0x5d: {  	_ =	shalt  }
0x5e: {  	_ =	shalt  }
0x5f: {  	_ =	shalt  }
0x60: {  	_ =	shalt  }
0x61: {  	_ =	shalt  }
0x62: {  	_ =	shalt  }
0x63: {  	_ =	shalt  }
0x64: {  	_ =	shalt  }
0x65: {  	_ =	shalt  }
0x66: {  	_ =	shalt  }
0x67: {  	_ =	shalt  }
0x68: {  	_ =	shalt  }
0x69: {  	_ =	shalt  }
0x6a: {  	_ =	shalt  }
0x6b: {  	_ =	shalt  }
0x6c: {  	_ =	shalt  }
0x6d: {  	_ =	shalt  }
0x6e: {  	_ =	shalt  }
0x6f: {  	_ =	shalt  }
0x70: {  	_ =	shalt  }
0x71: {  	_ =	shalt  }
0x72: {  	_ =	shalt  }
0x73: {  	_ =	shalt  }
0x74: {  	_ =	shalt  }
0x75: {  	_ =	shalt  }
0x76: {  	_ =	shalt  }
0x77: {  	_ =	shalt  }
0x78: {  	_ =	shalt  }
0x79: {  	_ =	shalt  }
0x7a: {  	_ =	shalt  }
0x7b: {  	_ =	shalt  }
0x7c: {  	_ =	shalt  }
0x7d: {  	_ =	shalt  }
0x7e: {  	_ =	shalt  }
0x7f: {  	_ =	shalt  }
0x80: {  	_ =	shalt  }
0x81: {  	_ =	shalt  }
0x82: {  	_ =	shalt  }
0x83: {  	_ =	shalt  }
0x84: {  	_ =	shalt  }
0x85: {  	_ =	shalt  }
0x86: {  	_ =	shalt  }
0x87: {  	_ =	shalt  }
.Lfunc_end0:
.L_simem_size_0:
called_computation_lowered:
.L_overlay_start_0:
0x88: {  	s2 =	sld [smem:$0x3FD9]  }
0x89: {  	s3 =	sld [smem:$0x3FFE];
	_ =	sdelay $0x1  }
0x8a: {  	s1 =	srdreg.scid  }
0x8b: {  	s0 =	sand.u32 $0x1, s1  }
0x8c: {  	s15 =	sshll.u32 s0, $0xA;
	s2 =	sadd.s32 s3, s2  }
0x8d: {  	s2 =	sadd.s32 s2, s15  }
0x8e: {  	[smem:$0x3FC5] =	sst s2  }
0x8f: {  	_ = 	snop  }
0x90: {  	s2 =	sld [smem:$0x3FD0];
	_ =	sdelay $0x1  }
0x91: {  	s16 =	sld [smem:$0x3FC9]  }
0x92: {  	s5 =	simm.s32 $0xA;
	s6 =	simm.s32 $0x10;
	s4 =	sld [smem:$0x3FC8]  }
0x93: {  	[smem:s6], [sflag:s5] =	dma.local [hbm:s2], $0x1  }
0x94: {  	_ =	swait.eq [sflag:s5], $0x1  }
0x95: {  	[sflag:s5] =	ssyncset.done $0x0  }
0x96: {  	[sflag:s5] =	ssyncadd.s32 $0xFFFFFFFF  }
0x97: {  	s17 =	sld [smem:$0x10];
	(tm) =	ssettm $0x1  }
0x98: {  	s18 =	sld [smem:$0x3FFB];
	_ =	sdelay $0x3  }
0x99: {  	_ =	strace s18  }
0x9a: {  	s5 =	sld [smem:$0x3FFC];
	_ =	sdelay $0x3  }
0x9b: {  	_ =	strace s5  }
0x9c: {  	s5 =	sld [smem:$0x3FFD];
	_ =	sdelay $0x3  }
0x9d: {  	_ =	strace s5  }
0x9e: {  	_ =	strace $0x8FFFFFFF  }
0x9f: {  	s19 =	sld [smem:$0x3FDB];
	_ =	sdelay $0x1  }
0xa0: {  	s20 =	simm.s32 $_scs_section_size  }
0xa1: {  	s7 =	simm.s32 $_size__tile_overlayer_lowered;
	s8 =	simm.s32 $_tile_overlayer_lowered  }
0xa2: {  	s23 =	simm.s32 $0x1BFF;
	s22 =	sshll.u32 s8, $0x1;
	s5 =	sadd.s32 s20, s19  }
0xa3: {  	s9 =	simm.s32 $0x0;
	s21 =	sshll.u32 s7, $0x1;
	s7 =	sadd.s32 s22, s5  }
0xa4: {  	[timem:s9], [sflag:s23] =	dma.local [hbm:s7], s21  }
0xa5: {  	_ =	swait.ge [sflag:s23], s21  }
0xa6: {  	s6 =	ssub.s32 $0x0, s21;
	[sflag:s23] =	ssyncset.done $0x0  }
0xa7: {  	[sflag:s23] =	ssyncadd.s32 s6;
	_ =	sdelay $0x1  }
0xa8: {  	s24 =	simm.s32 $0x1B8B  }
0xa9: {  	_ =	swait.ge [sflag:s24], $0x1  }
0xaa: {  	[sflag:s24] =	ssyncset.done $0x0  }
0xab: {  	s25 =	simm.s32 $0x1B8E;
	[sflag:s24] =	ssyncadd.s32 $0xFFFFFFFF  }
0xac: {  	s26 =	simm.s32 $execute0_lowered;
	[smem:$0x3FD2] =	sst s25  }
0xad: {  	s6 =	sshll.u32 s26, $0x1;
	_ =	strace $0x80000046;
	[dreg:$0x1] =	wrdreg $0xFFFFFFFF  }
0xae: {  	s28 =	simm.s32 $_size_execute0_lowered;
	s5 =	sadd.s32 s5, s6;
	[dreg:$0x0] =	wrdreg $0x0  }
0xaf: {  	s6 =	sshll.u32 s28, $0x1;
	[dreg:$0x2] =	wrdreg s5  }
0xb0: {  	[dreg:$0x3] =	wrdreg s6  }
0xb1: {  	[dreg:$0x4] =	wrdreg $0xC0  }
0xb2: {  	_ =	task [dreg:s9], $0x5FFFF  }
0xb3: {  	[dreg:$0x1] =	wrdreg $0xFFFFFFFF  }
0xb4: {  	[dreg:$0x0] =	wrdreg $0x60  }
0xb5: {  	[dreg:$0x2] =	wrdreg s16  }
0xb6: {  	[dreg:$0x3] =	wrdreg s4  }
0xb7: {  	[dreg:$0x4] =	wrdreg s17  }
0xb8: {  	[dreg:$0x5] =	wrdreg $0x9  }
0xb9: {  	_ =	task.clear_ibuf [dreg:s9], $0x6FFFF;
	_ =	strace $0x90000046  }
0xba: {  	s29 =	simm.s32 $0x9;
	_ =	strace $0x80000048  }
0xbb: {  	_ =	swait.ge [sflag:s29], $0x1  }
0xbc: {  	[sflag:s29] =	ssyncadd.s32 $0xFFFFFFFF  }
0xbd: {  	_ =	strace $0x90000048  }
0xbe: {  	_ =	sfence  }
0xbf: {  	s30 =	sld [smem:$0x0];
	_ =	sdelay $0x2  }
0xc0: {  	s31 =	sshll.u32 s1, $0xD;
	s1 =	sshrl.u32 s1, $0x2  }
0xc1: {  	s3 =	sand.u32 $0x4000, s31;
	s1 =	sadd.s32 s1, s30  }
0xc2: {  	s0 =	sor.u32 s3, s0;
	s1 =	sshll.u32 s1, $0x11  }
0xc3: {  	s0 =	sor.u32 s1, s0  }
0xc4: {  	s0 =	sadd.s32 $0x8F2B, s0  }
0xc5: {  	[sflag:s0] =	ssyncadd.remote.s32 $0x1  }
0xc6: {  	_ =	sfence.sel $0xFFFF  }
0xc7: {  	[dreg:$0x0] =	wrdreg $0xFFFFFFFF;
	(pc) =	sbr.abs _section_cstart, $3  }
0xc8: {  	[dreg:$0x1] =	wrdreg $0xFFFFFFFF  }
0xc9: {  	_ =	task.clear_ibuf [dreg:s9], $0x2FFFF;
	_ =	strace $0x9FFFFFFF  }
0xca: {  	(tm) =	ssettm $0x7FFFFFFF  }
0xcb: {  	_ =	shalt  }
tec
execute0_lowered:
.L_overlay_start_1:
0x0: {  	(tag) =	ssettag $0x1  }
0x1: {  	v2 =	vlaneseq.u32  }
0x2: {  	v4 =	vimm.s32 $0xEFCDAB89;
	v5 =	vimm.s32 $0x67452301;
	vm1 =	vcmask $0xB08  }
0x3: {  	vm2 =	vcmask $0x300;
	v6 =	vimm.s32 $0xDCFE98BA;
	v7 =	vimm.s32 $0x54761032  }
0x4: {  	v8 =	vimm.s32 $0x32107654;
	vm3 =	vcmask $0x700;
	vm4 =	vcmask $0x3B38  }
0x5: {  	vm5 =	vmmov $0xff;
	v3 =	vshrl.u32 v2, $0x3;
	v4 =	vunpack.c.l.s4.s8 v4  }
0x6: {  	v5 =	vunpack.c.l.s4.s8 v5;
	vm1 =	vmor vm2, vm1;
	vm2 =	vcmask $0x1310  }
0x7: {  	s0 =	stileid.u32;
	v6 =	vunpack.c.l.s4.s8 v6;
	v7 =	vunpack.c.l.s4.s8 v7;
	v8 =	vunpack.c.l.s4.s8 v8  }
0x8: {  	s1 =	srdreg.scid;
	s2 =	sshll.u32 s0, $0x1;
	vm1 =	vmor vm1, vm2;
	vm2 =	vcmask $0x1B18;
	v4 =	vunpack.c.0.s8.s32 v4  }
0x9: {  	s5 =	sand.u32 $0x1, s1;
	s6 =	sshrl.u32 s0, $0x2;
	s30 =	sand.u32 $0x6, s2;
	v5 =	vunpack.c.0.s8.s32 v5;
	vm1 =	vmor vm1, vm2;
	vm2 =	vcmask $0x2320  }
0xa: {  	s31 =	sshll.u32 s6, $0xD;
	v3 =	vmul.u32 $0x8, v3;
	s9 =	sor.u32 s5, s30;
	vm1 =	vmor vm1, vm2;
	vm2 =	vcmask $0x2B28  }
0xb: {  	s1 =	simm.s32 $0x0;
	v0 =	vmov s31;
	p0 =	seq.s32 s9, $0x7;
	v4 =	vcombine.low v5, v4;
	vm1 =	vmor vm1, vm2  }
0xc: {  	s8 =	rddreg [dreg:$0x2];
	s1 =	simm.s32 @!p0 $0x7;
	vm2 =	vcmask $0x3330;
	v5 =	vunpack.c.0.s8.s32 v6;
	v6 =	vunpack.c.0.s8.s32 v7  }
0xd: {  	s3 =	rddreg [dreg:$0x3];
	s4 =	simm.s32 $0x0;
	v7 =	vimm.s32 $0xBA98FEDC;
	v1 =	vmov s1;
	vm1 =	vmor vm1, vm2  }
0xe: {  	s14 =	simm.s32 $0x280;
	s15 =	simm.s32 $0xA80;
	s16 =	simm.s32 $0x1280;
	vm2 =	vcmask $0x1710;
	v7 =	vunpack.c.l.s4.s8 v7;
	vm0 =	vgt.u32 v1, v2  }
0xf: {  	s17 =	simm.s32 $0x1A80;
	s18 =	simm.s32 $0x1;
	s19 =	simm.s32 $0x2280;
	v1 =	vimm.s32 $0x0;
	v2 =	vand.u32 $0x7, v2;
	v5 =	vcombine.low v6, v5  }
0x10: {  	s20 =	simm.s32 $0x2288;
	s21 =	simm.s32 $0x0;
	[smem:$0x7FF] =	sst s4;
	vm2 =	vmor vm3, vm2;
	v6 =	vunpack.c.0.s8.s32 v7;
	v7 =	vunpack.c.0.s8.s32 v8  }
0x11: {  	s2 =	rddreg [dreg:$0x1];
	s10 =	sshll.u32 s6, $0x4;
	s5 =	ssub.s32 $0x2, s5;
	vm3 =	vcmask $0x2720;
	vm1 =	vmor vm1, vm4;
	v8 =	vimm.s32 $0xFEDCBA98  }
0x12: {  	s7 =	sshrl.u32 s5, $0x1;
	s13 =	smul.u32 $0x1C, s9;
	s12 =	sor.u32 s9, s10;
	v8 =	vunpack.c.l.s4.s8 v8;
	v6 =	vcombine.low v7, v6;
	v7 =	vimm.s32 $0x76543210  }
0x13: {  	s10 =	sadd.s32 s8, s10;
	s11 =	ssub.s32 s5, s7;
	s5 =	sshll.u32 s6, $0x7;
	vm4 =	vcmask $0xF00;
	v4 =	vand.u32 $0xF, v4;
	v7 =	vunpack.c.l.s4.s8 v7  }
0x14: {  	s12 =	sadd.s32 s12, s8;
	s9 =	sadd.s32 s9, s10;
	s1 =	rddreg [dreg:$0x0];
	vm2 =	vmor vm2, vm3;
	vm3 =	vcmask $0x3730;
	v8 =	vunpack.c.0.s8.s32 v8  }
0x15: {  	_ =	strace $0x80000047;
	s10 =	sadd.s32 $0x8, s12;
	s11 =	smax.u32 s11, $0x1;
	vm2 =	vmor vm2, vm3;
	vm3 =	vcmask $0x2F20;
	v7 =	vunpack.c.0.s8.s32 v7  }
0x16: {  	s12 =	simm.s32 $0x2;
	s13 =	sshrl.u32 s13, $0x2;
	s6 =	sadd.s32 $0x100, s1;
	v5 =	vand.u32 $0xF, v5;
	vm3 =	vmor vm4, vm3;
	v8 =	vand.u32 $0xF, v8  }
0x17: {  	s7 =	sadd.s32 $0x200, s1;
	s8 =	sadd.s32 $0x300, s1;
	s13 =	sadd.s32 s13, s5;
	vm4 =	vmmov $0xffff;
	v6 =	vand.u32 $0xF, v6;
	v7 =	vcombine.low v8, v7  }
.LBB2_1:
0x18: {  	[tilespmem:s4], [sflag:$0x2] =	stream.linear.gather [hbm4b:s2+s4], $0x200, $0x38;
	[tilespmem:$0x2300] =	vst v63  }
0x19: {  	_ =	swait.ge [sflag:s12], $0x200  }
0x1a: {  	[sflag:s12] =	ssyncset.done $0x0  }
0x1b: {  	[sflag:s12] =	ssyncadd.s32 $0xFFFFFE00  }
0x1c: {  	v8 =	vld [tilespmem:s5+$0x31];
	_ =	sdelay $0x1  }
0x1d: {  	v9 =	vld [tilespmem:s13+$0x0];
	_ =	sdelay $0x2  }
0x1e: {  	v8 =	vperm.xlane v8, v1;
	_ =	sdelay $0x1  }
0x1f: {  	v8 =	vsel vm0, v9, v8  }
0x20: {  	v8 =	vadd.s32 v0, v8  }
0x21: {  	vm6 =	vgt.s32 v8, $0x0  }
0x22: {  	v8 =	vnsel vm6, $0x0, v8  }
0x23: {  	v8 =	vmin.u32 v8, $0x7FFF  }
0x24: {  	[tilespmem:$0x200] =	vst v8  }
0x25: {  	v8 =	vld.msk [tilespmem:$0x200], $0xff;
	_ =	sdelay $0x4  }
0x26: {  	v9 =	vshll.u32 v8, $0x3  }
0x27: {  	v8 =	vand.u32 $0x7, v8;
	v9 =	vand.u32 $0xFFFFFFC0, v9  }
0x28: {  	v8 =	vor.u32 v8, v9  }
0x29: {  	v8 =	vperm.xlane v8, v2;
	_ =	sdelay $0x1  }
0x2a: {  	v8 =	vadd.s32 v3, v8;
	_ =	sdelay $0x4  }
0x2b: {  	[tilespmem:s14], [sflag:$0x1] =	stream.indirect_vreg.gather [hbm4b:s1+s4], $0x80, v8, vm4, $0xb8;
	[tilespmem:$0x2300] =	vst v63  }
0x2c: {  	_ = 	snop  }
0x2d: {  	[tilespmem:s15], [sflag:$0x1] =	stream.indirect_vreg.gather [hbm4b:s6+s4], $0x80, v8, vm4, $0xb8;
	[tilespmem:$0x2300] =	vst v63  }
0x2e: {  	_ = 	snop  }
0x2f: {  	[tilespmem:s16], [sflag:$0x1] =	stream.indirect_vreg.gather [hbm4b:s7+s4], $0x80, v8, vm4, $0xb8;
	[tilespmem:$0x2300] =	vst v63  }
0x30: {  	_ = 	snop  }
0x31: {  	[tilespmem:s17], [sflag:$0x1] =	stream.indirect_vreg.gather [hbm4b:s8+s4], $0x80, v8, vm4, $0xb8;
	[tilespmem:$0x2300] =	vst v63  }
0x32: {  	_ =	swait.ge [sflag:s18], $0x2000  }
0x33: {  	s22 =	sand.u32 $0x60, s4;
	s23 =	sand.u32 $0x1C00, s4;
	[sflag:s18] =	ssyncset.done $0x0  }
0x34: {  	s22 =	sor.u32 s22, s23;
	[sflag:s18] =	ssyncadd.s32 $0xFFFFE000  }
0x35: {  	v18 =	vld [tilespmem:s22+$0x310]  }
0x36: {  	v11 =	vld [tilespmem:s22+$0x510]  }
0x37: {  	v15 =	vld [tilespmem:s22+$0x500]  }
0x38: {  	s29 =	sand.u32 $0x3, s4;
	v9 =	vld [tilespmem:s22+$0x290]  }
0x39: {  	s23 =	sshll.u32 s29, $0x5;
	v10 =	vld [tilespmem:s22+$0x480]  }
0x3a: {  	s23 =	sadd.s32 $0x0, s23;
	v16 =	vld [tilespmem:s22+$0x300]  }
0x3b: {  	s24 =	sadd.s32 $0x10, s23;
	v34 =	vld [tilespmem:s22+$0x280]  }
0x3c: {  	s25 =	sor.u32 $0x380, s24;
	v36 =	vld [tilespmem:s22+$0x490]  }
0x3d: {  	s26 =	sor.u32 s4, s4;
	s24 =	sor.u32 $0x300, s24;
	v13 =	vld [tilespmem:s25+$0x280]  }
0x3e: {  	v24 =	vimm.f32 $0.0e+00;
	s30 =	sor.u32 $0x380, s26;
	v33 =	vld [tilespmem:s24+$0x280]  }
0x3f: {  	v29 =	vimm.f32 $0.0e+00;
	v30 =	vimm.f32 $0.0e+00;
	v17 =	vld [tilespmem:s30+$0x280];
	v28 =	vmul.f32 v11, v11  }
0x40: {  	v23 =	vimm.f32 $0.0e+00;
	v8 =	vmul.f32 v18, v18;
	v12 =	vmul.f32 v16, v16  }
0x41: {  	v35 =	vimm.f32 $0.0e+00;
	v27 =	vld [tilespmem:s22+$0x400];
	v14 =	vmul.f32 v34, v34;
	v19 =	vmul.f32 v9, v9  }
0x42: {  	v21 =	vimm.f32 $0.0e+00;
	v26 =	vld [tilespmem:s22+$0x410];
	v20 =	vmul.f32 v10, v10;
	v43 =	vmul.f32 v15, v15  }
0x43: {  	v25 =	vimm.f32 $0.0e+00;
	v42 =	vmul.f32 v36, v36;
	v40 =	vmul.f32 v9, v13  }
0x44: {  	v22 =	vimm.f32 $0.0e+00;
	v31 =	vmul.f32 v33, v33;
	v32 =	vmul.f32 v17, v17  }
0x45: {  	v38 =	vmul.f32 v18, v13;
	v12 =	vadd.f32 v12, v24;
	v14 =	vadd.f32 v14, v24  }
0x46: {  	v18 =	vimm.f32 $0.0e+00;
	v41 =	vadd.f32 v20, v24;
	v20 =	vmul.f32 v27, v27  }
0x47: {  	s31 =	sor.u32 $0x300, s23;
	v39 =	vld [tilespmem:s22+$0x380];
	v8 =	vadd.f32 v8, v12;
	v12 =	vmul.f32 v26, v26;
	v9 =	vadd.f32 v19, v14  }
0x48: {  	s23 =	simm.s32 $0x20;
	v37 =	vld [tilespmem:s31+$0x280];
	s24 =	simm.s32 $0x100;
	s25 =	simm.s32 $0x1;
	v14 =	vadd.f32 v20, v24;
	v20 =	vimm.f32 $0.0e+00;
	v19 =	vimm.f32 $0.0e+00  }
.LBB2_2:
0x49: {  	s26 =	sand.u32 $0x60, s23;
	s29 =	sand.u32 $0x1C00, s24;
	s28 =	sor.u32 s24, s23;
	v34 =	vmul.f32 v34, v17;
	v24 =	vadd.f32 v43, v24;
	v43 =	vmul.f32 v36, v13  }
0x4a: {  	s30 =	sand.u32 $0x3, s25;
	v15 =	vmul.f32 v15, v17;
	v41 =	vadd.f32 v42, v41;
	v42 =	vmul.f32 v33, v13;
	s28 =	sor.u32 $0x380, s28;
	v36 =	vld [tilespmem:s22+$0x390];
	s22 =	sor.u32 s26, s29  }
0x4b: {  	p0 =	sne.s32 s23, $0x3E0;
	s23 =	sadd.s32 $0x20, s23;
	v33 =	vmul.f32 v11, v13;
	s26 =	sshll.u32 s30, $0x5;
	v44 =	vld [tilespmem:s22+$0x310];
	v29 =	vadd.f32 v34, v29;
	v24 =	vadd.f32 v28, v24  }
0x4c: {  	v16 =	vmul.f32 v16, v17;
	v45 =	vmul.f32 v26, v13;
	s29 =	sadd.s32 s26, s24;
	v28 =	vadd.f32 v15, v30;
	v11 =	vld [tilespmem:s22+$0x510]  }
0x4d: {  	v26 =	vmul.f32 v27, v17;
	s26 =	sor.u32 $0x300, s29;
	s29 =	sadd.s32 $0x10, s29;
	v15 =	vld [tilespmem:s22+$0x500];
	v27 =	vmul.f32 v37, v37;
	v29 =	vadd.f32 v40, v29  }
0x4e: {  	v23 =	vadd.f32 v16, v23;
	v34 =	vmul.f32 v39, v17;
	v39 =	vmul.f32 v39, v39;
	s30 =	sor.u32 $0x380, s29;
	s29 =	sor.u32 $0x300, s29;
	v40 =	vld [tilespmem:s22+$0x290]  }
0x4f: {  	v35 =	vadd.f32 v26, v35;
	v26 =	vmul.f32 v10, v17;
	v30 =	vadd.f32 v33, v28;
	v10 =	vld [tilespmem:s22+$0x480]  }
0x50: {  	v23 =	vadd.f32 v38, v23;
	v21 =	vadd.f32 v27, v21;
	v38 =	vmul.f32 v36, v36;
	v16 =	vld [tilespmem:s22+$0x300]  }
0x51: {  	v20 =	vadd.f32 v34, v20;
	v25 =	vadd.f32 v26, v25;
	v26 =	vmul.f32 v36, v13;
	v33 =	vld [tilespmem:s29+$0x280]  }
0x52: {  	v17 =	vmul.f32 v37, v17;
	v28 =	vmul.f32 v11, v11;
	v21 =	vadd.f32 v31, v21;
	v34 =	vld [tilespmem:s22+$0x280]  }
0x53: {  	v22 =	vadd.f32 v32, v22;
	v13 =	vmul.f32 v13, v13;
	v20 =	vadd.f32 v26, v20;
	v36 =	vld [tilespmem:s22+$0x490]  }
0x54: {  	v18 =	vadd.f32 v39, v18;
	v25 =	vadd.f32 v43, v25;
	v31 =	vmul.f32 v44, v44;
	v26 =	vld [tilespmem:s22+$0x410]  }
0x55: {  	v19 =	vadd.f32 v17, v19;
	v22 =	vadd.f32 v13, v22;
	v32 =	vmul.f32 v16, v16;
	v27 =	vld [tilespmem:s22+$0x400]  }
0x56: {  	v35 =	vadd.f32 v45, v35;
	v18 =	vadd.f32 v38, v18;
	v37 =	vmul.f32 v40, v40;
	v13 =	vld [tilespmem:s30+$0x280]  }
0x57: {  	v19 =	vadd.f32 v42, v19;
	v45 =	vmul.f32 v10, v10;
	v17 =	vld [tilespmem:s28+$0x280];
	v38 =	vmul.f32 v34, v34  }
.Ltmp0:
0x58: {  	v14 =	vadd.f32 v12, v14;
	v43 =	vmul.f32 v15, v15;
	v8 =	vadd.f32 v32, v8;
	v39 =	vld [tilespmem:s22+$0x380];
	(pc) =	sbr.rel @p0 .LBB2_2-.Ltmp0, $4  }
0x59: {  	v41 =	vadd.f32 v45, v41;
	v42 =	vmul.f32 v36, v36;
	v9 =	vadd.f32 v38, v9  }
0x5a: {  	v8 =	vadd.f32 v31, v8;
	v12 =	vmul.f32 v26, v26;
	v32 =	vmul.f32 v27, v27  }
0x5b: {  	v31 =	vmul.f32 v33, v33;
	v40 =	vmul.f32 v40, v13;
	v9 =	vadd.f32 v37, v9  }
0x5c: {  	s25 =	sadd.s32 $0x1, s25;
	s24 =	sadd.s32 $0x100, s24;
	v38 =	vmul.f32 v44, v13;
	v14 =	vadd.f32 v32, v14;
	v37 =	vld [tilespmem:s26+$0x280];
	v32 =	vmul.f32 v17, v17  }
0x5d: {  	v34 =	vmul.f32 v34, v17  }
0x5e: {  	v36 =	vmul.f32 v36, v13;
	v15 =	vmul.f32 v15, v17  }
0x5f: {  	v24 =	vadd.f32 v43, v24;
	v33 =	vmul.f32 v33, v13;
	v11 =	vmul.f32 v11, v13  }
0x60: {  	v41 =	vadd.f32 v42, v41;
	v16 =	vmul.f32 v16, v17;
	v27 =	vmul.f32 v27, v17  }
0x61: {  	v53 =	vmul.f32 v39, v17;
	v22 =	vadd.f32 v32, v22;
	v12 =	vadd.f32 v12, v14  }
0x62: {  	v54 =	vmul.f32 v39, v39;
	v29 =	vadd.f32 v34, v29;
	v24 =	vadd.f32 v28, v24  }
0x63: {  	v10 =	vmul.f32 v10, v17;
	v15 =	vadd.f32 v15, v30;
	v16 =	vadd.f32 v16, v23  }
0x64: {  	v26 =	vmul.f32 v26, v13;
	v27 =	vadd.f32 v27, v35;
	v20 =	vadd.f32 v53, v20  }
0x65: {  	v51 =	vld [tilespmem:s22+$0x390];
	v58 =	vmul.f32 v13, v13;
	v10 =	vadd.f32 v10, v25;
	v18 =	vadd.f32 v54, v18  }
0x66: {  	v35 =	vperm.xlane v9, v4;
	v39 =	vperm.xlane v12, v4;
	v29 =	vadd.f32 v40, v29  }
0x67: {  	v52 =	vmul.f32 v37, v37;
	v11 =	vadd.f32 v11, v15;
	v16 =	vadd.f32 v38, v16  }
0x68: {  	v57 =	vmul.f32 v37, v17;
	v10 =	vadd.f32 v36, v10;
	v61 =	vadd.f32 v26, v27  }
0x69: {  	v37 =	vperm.xlane v8, v4;
	v9 =	vadd.f32 v35, v9;
	v40 =	vperm.xlane v41, v4  }
0x6a: {  	v42 =	vperm.xlane v24, v4;
	v56 =	vmul.f32 v51, v13;
	v13 =	vadd.f32 v58, v22  }
0x6b: {  	v59 =	vmul.f32 v51, v51;
	v12 =	vadd.f32 v39, v12;
	v55 =	vadd.f32 v52, v21  }
0x6c: {  	v17 =	vadd.f32 v57, v19;
	v60 =	vperm.xlane v29, v4;
	v8 =	vadd.f32 v37, v8  }
0x6d: {  	v62 =	vperm.xlane v16, v4;
	v44 =	vadd.f32 v40, v41;
	v45 =	vadd.f32 v42, v24  }
0x6e: {  	v28 =	vperm.xlane v61, v4;
	v20 =	vadd.f32 v56, v20;
	v18 =	vadd.f32 v59, v18  }
0x6f: {  	v30 =	vperm.xlane v11, v4;
	v15 =	vadd.f32 v31, v55;
	v17 =	vadd.f32 v33, v17  }
0x70: {  	v34 =	vperm.xlane v13, v4;
	v19 =	vadd.f32 v60, v29;
	v16 =	vadd.f32 v62, v16  }
0x71: {  	v29 =	vperm.xlane v10, v4;
	v32 =	vadd.f32 v28, v61;
	v11 =	vadd.f32 v30, v11  }
0x72: {  	v8 =	vsel vm1, v9, v8;
	v9 =	vsel vm1, v44, v45;
	v63 =	vperm.xlane v20, v4  }
0x73: {  	v13 =	vadd.f32 v34, v13;
	v38 =	vperm.xlane v18, v4;
	v53 =	vperm.xlane v8, v5  }
0x74: {  	v55 =	vperm.xlane v9, v5;
	v16 =	vsel vm1, v19, v16;
	v33 =	vperm.xlane v17, v4  }
0x75: {  	v10 =	vadd.f32 v29, v10;
	v43 =	vperm.xlane v15, v4;
	v31 =	vadd.f32 v63, v20  }
0x76: {  	v47 =	vperm.xlane v16, v5;
	v8 =	vadd.f32 v53, v8;
	v36 =	vadd.f32 v33, v17  }
0x77: {  	v10 =	vsel vm1, v10, v11;
	v17 =	vadd.f32 v38, v18;
	v46 =	vadd.f32 v43, v15  }
0x78: {  	v19 =	vsel vm1, v31, v32;
	v50 =	vperm.xlane v10, v5;
	v15 =	vadd.f32 v47, v16  }
0x79: {  	v11 =	vsel vm1, v36, v13;
	v12 =	vsel vm1, v17, v12;
	v48 =	vperm.xlane v19, v5  }
0x7a: {  	v49 =	vnsel vm1, $0x0, v46;
	v52 =	vperm.xlane v11, v5;
	v54 =	vperm.xlane v12, v5  }
0x7b: {  	v10 =	vadd.f32 v50, v10;
	v56 =	vperm.xlane v49, v5;
	v51 =	vadd.f32 v48, v19  }
0x7c: {  	v11 =	vadd.f32 v52, v11;
	v12 =	vadd.f32 v54, v12  }
0x7d: {  	v9 =	vadd.f32 v55, v9;
	v13 =	vadd.f32 v56, v49  }
0x7e: {  	v57 =	vsel vm2, v15, v51;
	v10 =	vsel vm2, v10, v11;
	v8 =	vsel vm2, v8, v12  }
0x7f: {  	v9 =	vsel vm2, v9, v13;
	v58 =	vperm.xlane v57, v6;
	v59 =	vperm.xlane v10, v6  }
0x80: {  	v60 =	vperm.xlane v8, v6;
	v61 =	vperm.xlane v9, v6  }
0x81: {  	v11 =	vadd.f32 v58, v57;
	v10 =	vadd.f32 v59, v10  }
0x82: {  	v8 =	vadd.f32 v60, v8;
	v9 =	vadd.f32 v61, v9;
	_ =	sdelay $0x1  }
0x83: {  	v10 =	vsel vm3, v11, v10;
	v8 =	vsel vm3, v8, v9  }
0x84: {  	v62 =	vperm.xlane v10, v7;
	v63 =	vperm.xlane v8, v7;
	_ =	sdelay $0x1  }
0x85: {  	v9 =	vadd.f32 v62, v10;
	v8 =	vadd.f32 v63, v8;
	_ =	sdelay $0x1  }
0x86: {  	v8 =	vsel vm5, v9, v8  }
0x87: {  	[tilespmem:$0x2280] =	vst v8  }
0x88: {  	[hbm4b:s9+s4] =	stream.linear.scatter [tilespmem:s19], [sflag:$0x2], $0x8, $0x38;
	[tilespmem:$0x2300] =	vst v63  }
0x89: {  	s21 =	sadd.s32 $0x1, s21;
	_ =	swait.ge [sflag:s12], $0x8  }
0x8a: {  	p0 =	sne.s32 s21, s11;
	[sflag:s12] =	ssyncset.done $0x0  }
.Ltmp1:
0x8b: {  	[sflag:s12] =	ssyncadd.s32 $0xFFFFFFF8;
	(pc) =	sbr.rel @p0 .LBB2_1-.Ltmp1, $4  }
0x8c: {  	[hbm4b:s10+s4] =	stream.linear.scatter [tilespmem:s20], [sflag:$0x2], $0x8, $0x38;
	[tilespmem:$0x2300] =	vst v63  }
0x8d: {  	_ =	swait.ge [sflag:s12], $0x8  }
0x8e: {  	[sflag:s12] =	ssyncset.done $0x0  }
0x8f: {  	[sflag:s12] =	ssyncadd.s32 $0xFFFFFFF8  }
0x90: {  	_ =	sfence.sel $0x180000  }
0x91: {  	[bflag:$0x0] =	sbarrier.arrive $0xFFFF  }
0x92: {  	p0 =	sne.s32 s0, $0x0;
	_ =	strace $0x90000047  }
0x93: {  	s0 =	sadd.s32 @!p0 $0x100000, s3;
	[bflag:$0x2] =	sbarrier.arrive $0xFFFF  }
0x94: {  	[sflag:s0] =	ssyncadd.tile.s32 @!p0 $0x1;
	_ =	shalt  }
.Lfunc_end2:
_tile_overlayer_lowered:
.L_overlay_start_2:
0x95: {  	(tag) =	ssettag $0x2  }
0x96: {  	s0 =	rddreg [dreg:$0x0];
	s2 =	stileid.u32  }
0x97: {  	s1 =	rddreg [dreg:$0x1];
	p0 =	sne.s32 s2, $0x0  }
0x98: {  	s3 =	rddreg [dreg:$0x2];
	[bflag:$0x3] =	sbarrier.arrive $0xFFFF;
	s2 =	simm.s32 @!p0 $0x1C02  }
0x99: {  	[timem:s3], [sflag:s2] =	dma.local @!p0 [hbm:s0], s1  }
0x9a: {  	s0 =	simm.s32 @!p0 $0x2  }
0x9b: {  	_ =	swait.ge @!p0 [sflag:s0], s1  }
0x9c: {  	s1 =	ssub.s32 @!p0 $0x0, s1;
	[sflag:s0] =	ssyncset.done @!p0 $0x0  }
0x9d: {  	[sflag:s0] =	ssyncadd.s32 @!p0 s1  }
0x9e: {  	[bflag:$0x3] =	sbarrier.arrive $0xFFFF  }
0x9f: {  	_ =	shalt  }

</sc_bundles>
